<compile_context>
chip_gen: v7x
topology: tpu7x:2x2x1
jax: 0.10.2.dev20260603
libtpu: 0.0.44.dev20260713+nightly
codegen_flags: <defaults>
</compile_context>

<pallas_src>
import functools

import jax
import jax.numpy as jnp
import numpy as np
from jax import lax
from jax.experimental import pallas as pl
from jax.experimental.pallas import tpu as pltpu
from jax.experimental.pallas import tpu_sc as plsc

RES = 512
ANG = 16
D = 8
B = 16384
NC = 2
NS = 16
NW = NC * NS
ROWS_W = B // NW
PERW = D * ROWS_W
CHUNK = 128
LANES = 16


def _tc_body(cond_ref, wi_ref, a1_ref, c1_ref, a2_ref, c2_ref, a3_ref,
             c3_ref, a4_ref, c4_ref, fac_ref, idx_ref, w_ref):
    c = cond_ref[...]
    h = jnp.maximum(
        jnp.dot(a1_ref[...], c, preferred_element_type=jnp.float32)
        + c1_ref[...], 0.0)
    h = jnp.maximum(
        jnp.dot(a2_ref[...], h, preferred_element_type=jnp.float32)
        + c2_ref[...], 0.0)
    h = jnp.maximum(
        jnp.dot(a3_ref[...], h, preferred_element_type=jnp.float32)
        + c3_ref[...], 0.0)
    o = jnp.dot(a4_ref[...], h, preferred_element_type=jnp.float32) \
        + c4_ref[...]
    w = o[0:D]
    vx = o[D:2 * D]
    vy = o[2 * D:3 * D]
    zc = o[3 * D:4 * D]
    n = jnp.maximum(jnp.sqrt(vx * vx + vy * vy), 1e-12)
    cosv = vx / n
    sinv = vy / n
    z = 1.0 / (1.0 + jnp.exp(-zc))
    zi_f = jnp.clip(
        lax.round(z * ANG, lax.RoundingMethod.TO_NEAREST_EVEN),
        0.0, ANG - 1.0)
    z_idx = zi_f.astype(jnp.int32)
    facr = fac_ref[...]
    fg = jnp.zeros_like(w)
    for a in range(ANG):
        fg = jnp.where(z_idx == a, facr[:, a:a + 1], fg)
    wr = jnp.maximum(w, 0.0) * fg
    l1 = jnp.sum(jnp.abs(wr), axis=0, keepdims=True)
    wn = wr / jnp.maximum(l1, 1e-12)
    wix = wi_ref[0:1, :]
    wiy = wi_ref[1:2, :]
    wx = cosv * wix - sinv * wiy
    wy = sinv * wix + cosv * wiy
    fx = wx - jnp.floor(wx)
    fy = wy - jnp.floor(wy)
    ix = jnp.clip(jnp.floor(fx * RES), 0.0, RES - 1.0).astype(jnp.int32)
    iy = jnp.clip(jnp.floor(fy * RES), 0.0, RES - 1.0).astype(jnp.int32)
    dvec = lax.broadcasted_iota(jnp.int32, (D, ROWS_W), 0)
    flat = z_idx * (D * RES * RES) + dvec * (RES * RES) + iy * RES + ix
    idx_ref[0] = flat
    w_ref[0] = wn


def _sc_body(pdf_hbm, idx_hbm, w_hbm, out_hbm, idx_v, w_v, vals_v, out_v,
             sem):
    wid = lax.axis_index("s") * NC + lax.axis_index("c")
    pltpu.sync_copy(idx_hbm.at[wid], idx_v)
    pltpu.sync_copy(w_hbm.at[wid], w_v)

    def fire(j, carry):
        pltpu.async_copy(
            pdf_hbm.at[idx_v.at[pl.ds(j * CHUNK, CHUNK)]],
            vals_v.at[pl.ds(j * CHUNK, CHUNK)],
            sem,
        )
        return carry

    lax.fori_loop(0, PERW // CHUNK, fire, 0)
    pltpu.make_async_copy(pdf_hbm.at[idx_v], vals_v, sem).wait()

    def red(i, carry):
        base = i * LANES
        acc = w_v[pl.ds(base, LANES)] * vals_v[pl.ds(base, LANES)]
        for d in range(1, D):
            off = d * ROWS_W + base
            acc = acc + w_v[pl.ds(off, LANES)] * vals_v[pl.ds(off, LANES)]
        out_v[pl.ds(base, LANES)] = acc
        return carry

    lax.fori_loop(0, ROWS_W // LANES, red, 0)
    pltpu.sync_copy(out_v, out_hbm.at[pl.ds(wid * ROWS_W, ROWS_W)])


@functools.cache
def _sc_gather():
    mesh = plsc.VectorSubcoreMesh(core_axis_name="c", subcore_axis_name="s")
    return pl.kernel(
        _sc_body,
        mesh=mesh,
        out_type=jax.ShapeDtypeStruct((B,), jnp.float32),
        scratch_types=[
            pltpu.VMEM((PERW,), jnp.int32),
            pltpu.VMEM((PERW,), jnp.float32),
            pltpu.VMEM((PERW,), jnp.float32),
            pltpu.VMEM((ROWS_W,), jnp.float32),
            pltpu.SemaphoreType.DMA,
        ],
    )


_PERM = np.concatenate([
    np.arange(0, D),
    np.arange(D, 3 * D, 2),
    np.arange(D + 1, 3 * D, 2),
    np.arange(3 * D, 4 * D),
])


def _tc_call(cond_T, wi_T, a1, c1, a2, c2, a3, c3, a4, c4, fac_T):
    rep = lambda g: (0, 0)
    return pl.pallas_call(
        _tc_body,
        grid=(NW,),
        in_specs=[
            pl.BlockSpec((10, ROWS_W), lambda g: (0, g)),
            pl.BlockSpec((2, ROWS_W), lambda g: (0, g)),
            pl.BlockSpec((32, 10), rep),
            pl.BlockSpec((32, 1), rep),
            pl.BlockSpec((32, 32), rep),
            pl.BlockSpec((32, 1), rep),
            pl.BlockSpec((32, 32), rep),
            pl.BlockSpec((32, 1), rep),
            pl.BlockSpec((32, 32), rep),
            pl.BlockSpec((32, 1), rep),
            pl.BlockSpec((D, ANG), rep),
        ],
        out_specs=[
            pl.BlockSpec((1, D, ROWS_W), lambda g: (g, 0, 0)),
            pl.BlockSpec((1, D, ROWS_W), lambda g: (g, 0, 0)),
        ],
        out_shape=[
            jax.ShapeDtypeStruct((NW, D, ROWS_W), jnp.int32),
            jax.ShapeDtypeStruct((NW, D, ROWS_W), jnp.float32),
        ],
    )(cond_T, wi_T, a1, c1, a2, c2, a3, c3, a4, c4, fac_T)


def kernel(wi, cond, pdf, fac, W1, b1, W2, b2, W3, b3, W4, b4):
    cond_T = cond.T
    wi_T = wi.T
    fac_T = fac.T
    a1, c1 = W1.T, b1[:, None]
    a2, c2 = W2.T, b2[:, None]
    a3, c3 = W3.T, b3[:, None]
    a4, c4 = W4[:, _PERM].T, b4[_PERM][:, None]
    idx3, w3 = _tc_call(cond_T, wi_T, a1, c1, a2, c2, a3, c3, a4, c4, fac_T)
    idx_flat = idx3.reshape(NW, PERW)
    w_flat = w3.reshape(NW, PERW)
    pdf_flat = pdf.reshape(-1)
    return _sc_gather()(pdf_flat, idx_flat, w_flat)

# --- scband reference (transcript-rebuilt; emitter-appended) ---
"""Pipeline reference for scband-base2-dinference-80633716015316 (READ-ONLY COPY).

The authoritative reference and input builder live on the scoring server;
editing this copy changes nothing except your own understanding.
"""

import jax, jax.numpy as jnp
import numpy as np

RES = 512
ANG = 16
D = 8
B = 16384


def setup_inputs(seed: int = 0):
    key = jax.random.key(seed)
    ks = jax.random.split(key, 12)
    inp = {
        "wi": jax.random.uniform(ks[0], (B, 2), dtype=jnp.float32),
        "cond": jax.random.normal(ks[1], (B, 10), dtype=jnp.float32),
        "pdf": jax.random.normal(ks[2], (ANG, D, RES, RES), dtype=jnp.float32) * 0.01,
        "fac": jax.random.normal(ks[3], (ANG, D), dtype=jnp.float32) * 0.01,
        "W1": jax.random.normal(ks[4], (10, 32), dtype=jnp.float32) * (1.0 / np.sqrt(10)),
        "b1": jnp.zeros((32,), jnp.float32),
        "W2": jax.random.normal(ks[5], (32, 32), dtype=jnp.float32) * (1.0 / np.sqrt(32)),
        "b2": jnp.zeros((32,), jnp.float32),
        "W3": jax.random.normal(ks[6], (32, 32), dtype=jnp.float32) * (1.0 / np.sqrt(32)),
        "b3": jnp.zeros((32,), jnp.float32),
        "W4": jax.random.normal(ks[7], (32, D * 4), dtype=jnp.float32) * (1.0 / np.sqrt(32)),
        "b4": jnp.zeros((D * 4,), jnp.float32),
    }
    return inp


def reference(wi, cond, pdf, fac, W1, b1, W2, b2, W3, b3, W4, b4):
    Bn = cond.shape[0]
    ang, Dn = fac.shape
    res = pdf.shape[-1]
    # mlp(10, [32]*3, 4D)
    h = jax.nn.relu(cond @ W1 + b1)
    h = jax.nn.relu(h @ W2 + b2)
    h = jax.nn.relu(h @ W3 + b3)
    out = h @ W4 + b4
    w = out[:, :Dn]
    v = out[:, Dn:3 * Dn].reshape(Bn, Dn, 2)
    v = v / jnp.clip(jnp.linalg.norm(v, axis=-1, keepdims=True), 1e-12, None)
    z = jax.nn.sigmoid(out[:, 3 * Dn:])
    z_idx = jnp.clip(jnp.round(z * ang), 0, ang - 1).astype(jnp.int32)
    z_idx = jax.lax.stop_gradient(z_idx)
    # torch.gather(fac, 0, z_idx): fac[z_idx[b,d], d]
    d_idx = jnp.broadcast_to(jnp.arange(Dn)[None, :], (Bn, Dn))
    fac_g = fac[z_idx, d_idx]
    w = jax.nn.relu(w) * fac_g
    w = w / jnp.clip(jnp.sum(jnp.abs(w), axis=-1, keepdims=True), 1e-12, None)  # L1 normalize
    # fetch_idx_texture_2d: per-lobe 2D rotation of wi by v, wrapped nearest texel fetch,
    # weighted mixture over D lobes from the pdf texture selected by z_idx.
    cosv = v[..., 0]
    sinv = v[..., 1]
    wx = cosv * wi[:, None, 0] - sinv * wi[:, None, 1]
    wy = sinv * wi[:, None, 0] + cosv * wi[:, None, 1]
    ix = jnp.clip(jnp.floor((wx - jnp.floor(wx)) * res), 0, res - 1).astype(jnp.int32)
    iy = jnp.clip(jnp.floor((wy - jnp.floor(wy)) * res), 0, res - 1).astype(jnp.int32)
    ix = jax.lax.stop_gradient(ix)
    iy = jax.lax.stop_gradient(iy)
    vals = pdf[z_idx, d_idx, iy, ix]
    pdf_out = jnp.sum(w * vals, axis=-1)
    return pdf_out

if __name__ == "__main__":
    import jax
    _d = setup_inputs()
    print(jax.jit(kernel)(*tuple(_d.values())))

</pallas_src>

<mosaic_0001>
#map = affine_map<(d0, d1) -> (0)>
#map1 = affine_map<(d0, d1) -> (0, 0)>
module attributes {stable_mosaic.version = 14 : i64} {
  func.func @_sc_body(%arg0: i32, %arg1: i32, %arg2: memref<33554432xf32, #tpu.memory_space<hbm>>, %arg3: memref<32x4096xi32, #tpu.memory_space<hbm>>, %arg4: memref<32x4096xf32, #tpu.memory_space<hbm>>, %arg5: memref<16384xf32, #tpu.memory_space<hbm>>, %arg6: memref<4096xi32, #tpu.memory_space<vmem>>, %arg7: memref<4096xf32, #tpu.memory_space<vmem>>, %arg8: memref<4096xf32, #tpu.memory_space<vmem>>, %arg9: memref<512xf32, #tpu.memory_space<vmem>>, %arg10: memref<!tpu.dma_semaphore, #tpu.memory_space<semaphore_mem>>) attributes {dimension_semantics = [#tpu.dimension_semantics<core_parallel>, #tpu.dimension_semantics<subcore_parallel>], iteration_bounds = array<i64: 2, 16>, scalar_prefetch = 0 : i64, scratch_operands = 5 : i64, tpu.core_type = #tpu.core_type<sc_vector_subcore>, window_params = [{transform_indices = #map}, {transform_indices = #map1}, {transform_indices = #map1}, {transform_indices = #map}]} {
    %mul3A = arith.constant 2 : i32
    %mul3A_0 = arith.muli %arg1, %mul3A : i32
    %add3A = arith.addi %mul3A_0, %arg0 : i32
    "tpu.region"() ({
      %run_scoped3A = tpu.sem_alloc : memref<!tpu.dma_semaphore, #tpu.memory_space<semaphore_mem>>
      %dma_start3A = arith.constant 0 : i32
      %dma_start3A_15 = tpu.memref_slice %arg3[%add3A, %dma_start3A] : memref<32x4096xi32, #tpu.memory_space<hbm>> -> memref<1x4096xi32, #tpu.memory_space<hbm>>
      %dma_start3A_16 = tpu.memref_squeeze %dma_start3A_15 : memref<1x4096xi32, #tpu.memory_space<hbm>> -> memref<4096xi32, #tpu.memory_space<hbm>>
      %dma_start3A_17 = arith.constant 0 : i32
      %dma_start3A_18 = tpu.memref_slice %arg3[%add3A, %dma_start3A_17] : memref<32x4096xi32, #tpu.memory_space<hbm>> -> memref<1x4096xi32, #tpu.memory_space<hbm>>
      %dma_start3A_19 = tpu.memref_squeeze %dma_start3A_18 : memref<1x4096xi32, #tpu.memory_space<hbm>> -> memref<4096xi32, #tpu.memory_space<hbm>>
      tpu.enqueue_dma source(%dma_start3A_19 : memref<4096xi32, #tpu.memory_space<hbm>>) target(%arg6 : memref<4096xi32, #tpu.memory_space<vmem>>) target_semaphore(%run_scoped3A : memref<!tpu.dma_semaphore, #tpu.memory_space<semaphore_mem>>)
      %dma_wait3A_20 = arith.constant 0 : i32
      %dma_wait3A_21 = tpu.memref_slice %arg3[%add3A, %dma_wait3A_20] : memref<32x4096xi32, #tpu.memory_space<hbm>> -> memref<1x4096xi32, #tpu.memory_space<hbm>>
      %dma_wait3A_22 = tpu.memref_squeeze %dma_wait3A_21 : memref<1x4096xi32, #tpu.memory_space<hbm>> -> memref<4096xi32, #tpu.memory_space<hbm>>
      %dma_wait3A_23 = arith.constant 0 : i32
      %dma_wait3A_24 = tpu.memref_slice %arg3[%add3A, %dma_wait3A_23] : memref<32x4096xi32, #tpu.memory_space<hbm>> -> memref<1x4096xi32, #tpu.memory_space<hbm>>
      %dma_wait3A_25 = tpu.memref_squeeze %dma_wait3A_24 : memref<1x4096xi32, #tpu.memory_space<hbm>> -> memref<4096xi32, #tpu.memory_space<hbm>>
      tpu.wait_dma2 semaphore(%run_scoped3A : memref<!tpu.dma_semaphore, #tpu.memory_space<semaphore_mem>>) src(%dma_wait3A_25 : memref<4096xi32, #tpu.memory_space<hbm>>) dst(%arg6 : memref<4096xi32, #tpu.memory_space<vmem>>)
      tpu.yield
    }) : () -> ()
    "tpu.region"() ({
      %run_scoped3A = tpu.sem_alloc : memref<!tpu.dma_semaphore, #tpu.memory_space<semaphore_mem>>
      %dma_start3A = arith.constant 0 : i32
      %dma_start3A_15 = tpu.memref_slice %arg4[%add3A, %dma_start3A] : memref<32x4096xf32, #tpu.memory_space<hbm>> -> memref<1x4096xf32, #tpu.memory_space<hbm>>
      %dma_start3A_16 = tpu.memref_squeeze %dma_start3A_15 : memref<1x4096xf32, #tpu.memory_space<hbm>> -> memref<4096xf32, #tpu.memory_space<hbm>>
      %dma_start3A_17 = arith.constant 0 : i32
      %dma_start3A_18 = tpu.memref_slice %arg4[%add3A, %dma_start3A_17] : memref<32x4096xf32, #tpu.memory_space<hbm>> -> memref<1x4096xf32, #tpu.memory_space<hbm>>
      %dma_start3A_19 = tpu.memref_squeeze %dma_start3A_18 : memref<1x4096xf32, #tpu.memory_space<hbm>> -> memref<4096xf32, #tpu.memory_space<hbm>>
      tpu.enqueue_dma source(%dma_start3A_19 : memref<4096xf32, #tpu.memory_space<hbm>>) target(%arg7 : memref<4096xf32, #tpu.memory_space<vmem>>) target_semaphore(%run_scoped3A : memref<!tpu.dma_semaphore, #tpu.memory_space<semaphore_mem>>)
      %dma_wait3A_20 = arith.constant 0 : i32
      %dma_wait3A_21 = tpu.memref_slice %arg4[%add3A, %dma_wait3A_20] : memref<32x4096xf32, #tpu.memory_space<hbm>> -> memref<1x4096xf32, #tpu.memory_space<hbm>>
      %dma_wait3A_22 = tpu.memref_squeeze %dma_wait3A_21 : memref<1x4096xf32, #tpu.memory_space<hbm>> -> memref<4096xf32, #tpu.memory_space<hbm>>
      %dma_wait3A_23 = arith.constant 0 : i32
      %dma_wait3A_24 = tpu.memref_slice %arg4[%add3A, %dma_wait3A_23] : memref<32x4096xf32, #tpu.memory_space<hbm>> -> memref<1x4096xf32, #tpu.memory_space<hbm>>
      %dma_wait3A_25 = tpu.memref_squeeze %dma_wait3A_24 : memref<1x4096xf32, #tpu.memory_space<hbm>> -> memref<4096xf32, #tpu.memory_space<hbm>>
      tpu.wait_dma2 semaphore(%run_scoped3A : memref<!tpu.dma_semaphore, #tpu.memory_space<semaphore_mem>>) src(%dma_wait3A_25 : memref<4096xf32, #tpu.memory_space<hbm>>) dst(%arg7 : memref<4096xf32, #tpu.memory_space<vmem>>)
      tpu.yield
    }) : () -> ()
    %scan3A = arith.constant 0 : i32
    %scan3A_1 = arith.constant 0 : i32
    %scan3A_2 = arith.constant 32 : i32
    %scan3A_3 = arith.addi %scan3A_1, %scan3A_2 : i32
    %scan3A_4 = arith.constant 1 : i32
    scf.for %scan3A_15 = %scan3A_1 to %scan3A_3 step %scan3A_4  : i32 {
      %mul3A_16 = arith.constant 128 : i32
      %mul3A_17 = arith.muli %scan3A_15, %mul3A_16 : i32
      %mul3A_18 = arith.constant 128 : i32
      %mul3A_19 = arith.muli %scan3A_15, %mul3A_18 : i32
      %dma_start3A = tpu.memref_slice %arg8[%mul3A_19] : memref<4096xf32, #tpu.memory_space<vmem>> -> memref<128xf32, #tpu.memory_space<vmem>>
      %dma_start3A_20 = tpu.memref_slice %arg6[%mul3A_17] : memref<4096xi32, #tpu.memory_space<vmem>> -> memref<128xi32, #tpu.memory_space<vmem>>
      %dma_start3A_21 = arith.constant 0 : i32
      %dma_start3A_22 = tpu.memref_slice %arg2[%dma_start3A_21] : memref<33554432xf32, #tpu.memory_space<hbm>> -> memref<33554432xf32, #tpu.memory_space<hbm>>
      tpu.enqueue_indirect_dma source(%dma_start3A_22 : memref<33554432xf32, #tpu.memory_space<hbm>>) target(%dma_start3A : memref<128xf32, #tpu.memory_space<vmem>>) offsets(%dma_start3A_20 : memref<128xi32, #tpu.memory_space<vmem>>) semaphore(%arg10 : memref<!tpu.dma_semaphore, #tpu.memory_space<semaphore_mem>>)
    }
    %scan3A_5 = arith.constant 32 : i32
    %dma_wait3A = arith.constant 0 : i32
    %dma_wait3A_6 = tpu.memref_slice %arg2[%dma_wait3A] : memref<33554432xf32, #tpu.memory_space<hbm>> -> memref<33554432xf32, #tpu.memory_space<hbm>>
    tpu.wait_indirect_dma semaphore(%arg10 : memref<!tpu.dma_semaphore, #tpu.memory_space<semaphore_mem>>) src(%dma_wait3A_6 : memref<33554432xf32, #tpu.memory_space<hbm>>) dst(%arg8 : memref<4096xf32, #tpu.memory_space<vmem>>)
    %scan3A_7 = arith.constant 0 : i32
    %scan3A_8 = arith.constant 0 : i32
    %scan3A_9 = arith.constant 32 : i32
    %scan3A_10 = arith.addi %scan3A_8, %scan3A_9 : i32
    %scan3A_11 = arith.constant 1 : i32
    scf.for %scan3A_15 = %scan3A_8 to %scan3A_10 step %scan3A_11  : i32 {
      %mul3A_16 = arith.constant 16 : i32
      %mul3A_17 = arith.muli %scan3A_15, %mul3A_16 : i32
      %get3A = arith.index_cast %mul3A_17 : i32 to index
      %get3A_18 = tpu.vector_load %arg7[%get3A] {strides = array<i32>} : memref<4096xf32, #tpu.memory_space<vmem>>, vector<16xf32>,
      %get3A_19 = vector.shape_cast %get3A_18 : vector<16xf32> to vector<16xf32>
      %get3A_20 = arith.index_cast %mul3A_17 : i32 to index
      %get3A_21 = tpu.vector_load %arg8[%get3A_20] {strides = array<i32>} : memref<4096xf32, #tpu.memory_space<vmem>>, vector<16xf32>,
      %get3A_22 = vector.shape_cast %get3A_21 : vector<16xf32> to vector<16xf32>
      %mul3A_23 = arith.mulf %get3A_19, %get3A_22 : vector<16xf32>
      %add3A_24 = arith.constant 512 : i32
      %add3A_25 = arith.addi %add3A_24, %mul3A_17 : i32
      %get3A_26 = arith.index_cast %add3A_25 : i32 to index
      %get3A_27 = tpu.vector_load %arg7[%get3A_26] {strides = array<i32>} : memref<4096xf32, #tpu.memory_space<vmem>>, vector<16xf32>,
      %get3A_28 = vector.shape_cast %get3A_27 : vector<16xf32> to vector<16xf32>
      %get3A_29 = arith.index_cast %add3A_25 : i32 to index
      %get3A_30 = tpu.vector_load %arg8[%get3A_29] {strides = array<i32>} : memref<4096xf32, #tpu.memory_space<vmem>>, vector<16xf32>,
      %get3A_31 = vector.shape_cast %get3A_30 : vector<16xf32> to vector<16xf32>
      %mul3A_32 = arith.mulf %get3A_28, %get3A_31 : vector<16xf32>
      %add3A_33 = arith.addf %mul3A_23, %mul3A_32 : vector<16xf32>
      %add3A_34 = arith.constant 1024 : i32
      %add3A_35 = arith.addi %add3A_34, %mul3A_17 : i32
      %get3A_36 = arith.index_cast %add3A_35 : i32 to index
      %get3A_37 = tpu.vector_load %arg7[%get3A_36] {strides = array<i32>} : memref<4096xf32, #tpu.memory_space<vmem>>, vector<16xf32>,
      %get3A_38 = vector.shape_cast %get3A_37 : vector<16xf32> to vector<16xf32>
      %get3A_39 = arith.index_cast %add3A_35 : i32 to index
      %get3A_40 = tpu.vector_load %arg8[%get3A_39] {strides = array<i32>} : memref<4096xf32, #tpu.memory_space<vmem>>, vector<16xf32>,
      %get3A_41 = vector.shape_cast %get3A_40 : vector<16xf32> to vector<16xf32>
      %mul3A_42 = arith.mulf %get3A_38, %get3A_41 : vector<16xf32>
      %add3A_43 = arith.addf %add3A_33, %mul3A_42 : vector<16xf32>
      %add3A_44 = arith.constant 1536 : i32
      %add3A_45 = arith.addi %add3A_44, %mul3A_17 : i32
      %get3A_46 = arith.index_cast %add3A_45 : i32 to index
      %get3A_47 = tpu.vector_load %arg7[%get3A_46] {strides = array<i32>} : memref<4096xf32, #tpu.memory_space<vmem>>, vector<16xf32>,
      %get3A_48 = vector.shape_cast %get3A_47 : vector<16xf32> to vector<16xf32>
      %get3A_49 = arith.index_cast %add3A_45 : i32 to index
      %get3A_50 = tpu.vector_load %arg8[%get3A_49] {strides = array<i32>} : memref<4096xf32, #tpu.memory_space<vmem>>, vector<16xf32>,
      %get3A_51 = vector.shape_cast %get3A_50 : vector<16xf32> to vector<16xf32>
      %mul3A_52 = arith.mulf %get3A_48, %get3A_51 : vector<16xf32>
      %add3A_53 = arith.addf %add3A_43, %mul3A_52 : vector<16xf32>
      %add3A_54 = arith.constant 2048 : i32
      %add3A_55 = arith.addi %add3A_54, %mul3A_17 : i32
      %get3A_56 = arith.index_cast %add3A_55 : i32 to index
      %get3A_57 = tpu.vector_load %arg7[%get3A_56] {strides = array<i32>} : memref<4096xf32, #tpu.memory_space<vmem>>, vector<16xf32>,
      %get3A_58 = vector.shape_cast %get3A_57 : vector<16xf32> to vector<16xf32>
      %get3A_59 = arith.index_cast %add3A_55 : i32 to index
      %get3A_60 = tpu.vector_load %arg8[%get3A_59] {strides = array<i32>} : memref<4096xf32, #tpu.memory_space<vmem>>, vector<16xf32>,
      %get3A_61 = vector.shape_cast %get3A_60 : vector<16xf32> to vector<16xf32>
      %mul3A_62 = arith.mulf %get3A_58, %get3A_61 : vector<16xf32>
      %add3A_63 = arith.addf %add3A_53, %mul3A_62 : vector<16xf32>
      %add3A_64 = arith.constant 2560 : i32
      %add3A_65 = arith.addi %add3A_64, %mul3A_17 : i32
      %get3A_66 = arith.index_cast %add3A_65 : i32 to index
      %get3A_67 = tpu.vector_load %arg7[%get3A_66] {strides = array<i32>} : memref<4096xf32, #tpu.memory_space<vmem>>, vector<16xf32>,
      %get3A_68 = vector.shape_cast %get3A_67 : vector<16xf32> to vector<16xf32>
      %get3A_69 = arith.index_cast %add3A_65 : i32 to index
      %get3A_70 = tpu.vector_load %arg8[%get3A_69] {strides = array<i32>} : memref<4096xf32, #tpu.memory_space<vmem>>, vector<16xf32>,
      %get3A_71 = vector.shape_cast %get3A_70 : vector<16xf32> to vector<16xf32>
      %mul3A_72 = arith.mulf %get3A_68, %get3A_71 : vector<16xf32>
      %add3A_73 = arith.addf %add3A_63, %mul3A_72 : vector<16xf32>
      %add3A_74 = arith.constant 3072 : i32
      %add3A_75 = arith.addi %add3A_74, %mul3A_17 : i32
      %get3A_76 = arith.index_cast %add3A_75 : i32 to index
      %get3A_77 = tpu.vector_load %arg7[%get3A_76] {strides = array<i32>} : memref<4096xf32, #tpu.memory_space<vmem>>, vector<16xf32>,
      %get3A_78 = vector.shape_cast %get3A_77 : vector<16xf32> to vector<16xf32>
      %get3A_79 = arith.index_cast %add3A_75 : i32 to index
      %get3A_80 = tpu.vector_load %arg8[%get3A_79] {strides = array<i32>} : memref<4096xf32, #tpu.memory_space<vmem>>, vector<16xf32>,
      %get3A_81 = vector.shape_cast %get3A_80 : vector<16xf32> to vector<16xf32>
      %mul3A_82 = arith.mulf %get3A_78, %get3A_81 : vector<16xf32>
      %add3A_83 = arith.addf %add3A_73, %mul3A_82 : vector<16xf32>
      %add3A_84 = arith.constant 3584 : i32
      %add3A_85 = arith.addi %add3A_84, %mul3A_17 : i32
      %get3A_86 = arith.index_cast %add3A_85 : i32 to index
      %get3A_87 = tpu.vector_load %arg7[%get3A_86] {strides = array<i32>} : memref<4096xf32, #tpu.memory_space<vmem>>, vector<16xf32>,
      %get3A_88 = vector.shape_cast %get3A_87 : vector<16xf32> to vector<16xf32>
      %get3A_89 = arith.index_cast %add3A_85 : i32 to index
      %get3A_90 = tpu.vector_load %arg8[%get3A_89] {strides = array<i32>} : memref<4096xf32, #tpu.memory_space<vmem>>, vector<16xf32>,
      %get3A_91 = vector.shape_cast %get3A_90 : vector<16xf32> to vector<16xf32>
      %mul3A_92 = arith.mulf %get3A_88, %get3A_91 : vector<16xf32>
      %add3A_93 = arith.addf %add3A_83, %mul3A_92 : vector<16xf32>
      %swap3A = arith.index_cast %mul3A_17 : i32 to index
      %swap3A_94 = tpu.vector_load %arg9[%swap3A] {strides = array<i32>} : memref<512xf32, #tpu.memory_space<vmem>>, vector<16xf32>,
      %swap3A_95 = vector.shape_cast %swap3A_94 : vector<16xf32> to vector<16xf32>
      %swap3A_96 = vector.shape_cast %add3A_93 : vector<16xf32> to vector<16xf32>
      tpu.vector_store %arg9[%swap3A], %swap3A_96 {strides = array<i32>} : memref<512xf32, #tpu.memory_space<vmem>>, vector<16xf32>,
    }
    %scan3A_12 = arith.constant 32 : i32
    %mul3A_13 = arith.constant 512 : i32
    %mul3A_14 = arith.muli %add3A, %mul3A_13 : i32
    "tpu.region"() ({
      %run_scoped3A = tpu.sem_alloc : memref<!tpu.dma_semaphore, #tpu.memory_space<semaphore_mem>>
      %dma_start3A = tpu.memref_slice %arg5[%mul3A_14] : memref<16384xf32, #tpu.memory_space<hbm>> -> memref<512xf32, #tpu.memory_space<hbm>>
      %dma_start3A_15 = tpu.memref_slice %arg5[%mul3A_14] : memref<16384xf32, #tpu.memory_space<hbm>> -> memref<512xf32, #tpu.memory_space<hbm>>
      tpu.enqueue_dma source(%arg9 : memref<512xf32, #tpu.memory_space<vmem>>) target(%dma_start3A_15 : memref<512xf32, #tpu.memory_space<hbm>>) target_semaphore(%run_scoped3A : memref<!tpu.dma_semaphore, #tpu.memory_space<semaphore_mem>>)
      %dma_wait3A_16 = tpu.memref_slice %arg5[%mul3A_14] : memref<16384xf32, #tpu.memory_space<hbm>> -> memref<512xf32, #tpu.memory_space<hbm>>
      %dma_wait3A_17 = tpu.memref_slice %arg5[%mul3A_14] : memref<16384xf32, #tpu.memory_space<hbm>> -> memref<512xf32, #tpu.memory_space<hbm>>
      tpu.wait_dma2 semaphore(%run_scoped3A : memref<!tpu.dma_semaphore, #tpu.memory_space<semaphore_mem>>) src(%arg9 : memref<512xf32, #tpu.memory_space<vmem>>) dst(%dma_wait3A_17 : memref<512xf32, #tpu.memory_space<hbm>>)
      tpu.yield
    }) : () -> ()
    return
  }
}

module attributes {stable_mosaic.version = 14 : i64} {
  func.func @_tc_body(%arg0: i32, %arg1: memref<10x512xf32, #tpu.memory_space<vmem>>, %arg2: memref<2x512xf32, #tpu.memory_space<vmem>>, %arg3: memref<32x10xf32, #tpu.memory_space<vmem>>, %arg4: memref<32x1xf32, #tpu.memory_space<vmem>>, %arg5: memref<32x32xf32, #tpu.memory_space<vmem>>, %arg6: memref<32x1xf32, #tpu.memory_space<vmem>>, %arg7: memref<32x32xf32, #tpu.memory_space<vmem>>, %arg8: memref<32x1xf32, #tpu.memory_space<vmem>>, %arg9: memref<32x32xf32, #tpu.memory_space<vmem>>, %arg10: memref<32x1xf32, #tpu.memory_space<vmem>>, %arg11: memref<8x16xf32, #tpu.memory_space<vmem>>, %arg12: memref<1x8x512xi32, #tpu.memory_space<vmem>>, %arg13: memref<1x8x512xf32, #tpu.memory_space<vmem>>) attributes {dimension_semantics = [#tpu.dimension_semantics<arbitrary>], iteration_bounds = array<i64: 32>, scalar_prefetch = 0 : i64, scratch_operands = 0 : i64, tpu.core_type = #tpu.core_type<tc>, window_params = [{transform_indices = @transform_0, window_bounds = array<i64: 10, 512>}, {transform_indices = @transform_1, window_bounds = array<i64: 2, 512>}, {pipeline_mode = #tpu.pipeline_mode<synchronous>, transform_indices = @transform_2, window_bounds = array<i64: 32, 10>}, {pipeline_mode = #tpu.pipeline_mode<synchronous>, transform_indices = @transform_3, window_bounds = array<i64: 32, 1>}, {pipeline_mode = #tpu.pipeline_mode<synchronous>, transform_indices = @transform_4, window_bounds = array<i64: 32, 32>}, {pipeline_mode = #tpu.pipeline_mode<synchronous>, transform_indices = @transform_5, window_bounds = array<i64: 32, 1>}, {pipeline_mode = #tpu.pipeline_mode<synchronous>, transform_indices = @transform_6, window_bounds = array<i64: 32, 32>}, {pipeline_mode = #tpu.pipeline_mode<synchronous>, transform_indices = @transform_7, window_bounds = array<i64: 32, 1>}, {pipeline_mode = #tpu.pipeline_mode<synchronous>, transform_indices = @transform_8, window_bounds = array<i64: 32, 32>}, {pipeline_mode = #tpu.pipeline_mode<synchronous>, transform_indices = @transform_9, window_bounds = array<i64: 32, 1>}, {pipeline_mode = #tpu.pipeline_mode<synchronous>, transform_indices = @transform_10, window_bounds = array<i64: 8, 16>}, {transform_indices = @transform_11, window_bounds = array<i64: 1, 8, 512>}, {transform_indices = @transform_12, window_bounds = array<i64: 1, 8, 512>}]} {
    %get3A = arith.constant 0 : index
    %get3A_0 = arith.constant 0 : index
    %get3A_1 = vector.load %arg1[%get3A, %get3A_0] : memref<10x512xf32, #tpu.memory_space<vmem>>, vector<10x512xf32>
    %get3A_2 = arith.constant 0 : index
    %get3A_3 = arith.constant 0 : index
    %get3A_4 = vector.load %arg3[%get3A_2, %get3A_3] : memref<32x10xf32, #tpu.memory_space<vmem>>, vector<32x10xf32>
    %dot_general3A = arith.constant dense<0.000000e+00> : vector<32x512xf32>
    %dot_general3A_5 = tpu.matmul %get3A_4, %get3A_1, %dot_general3A {dimension_numbers = #tpu.dot_dimension_numbers<[1], [0], [0], [1], [0, 0, 1, 1], [], []>, transpose_lhs_hint = false} : vector<32x10xf32>, vector<10x512xf32>, vector<32x512xf32> -> vector<32x512xf32>
    %get3A_6 = arith.constant 0 : index
    %get3A_7 = arith.constant 0 : index
    %get3A_8 = vector.load %arg4[%get3A_6, %get3A_7] : memref<32x1xf32, #tpu.memory_space<vmem>>, vector<32x1xf32>
    %add3A = vector.broadcast %get3A_8 : vector<32x1xf32> to vector<32x512xf32>
    %add3A_9 = arith.addf %dot_general3A_5, %add3A : vector<32x512xf32>
    %max3A = arith.constant 0.000000e+00 : f32
    %max3A_10 = vector.broadcast %max3A : f32 to vector<32x512xf32>
    %max3A_11 = arith.maximumf %add3A_9, %max3A_10 : vector<32x512xf32>
    %get3A_12 = arith.constant 0 : index
    %get3A_13 = arith.constant 0 : index
    %get3A_14 = vector.load %arg5[%get3A_12, %get3A_13] : memref<32x32xf32, #tpu.memory_space<vmem>>, vector<32x32xf32>
    %dot_general3A_15 = arith.constant dense<0.000000e+00> : vector<32x512xf32>
    %dot_general3A_16 = tpu.matmul %get3A_14, %max3A_11, %dot_general3A_15 {dimension_numbers = #tpu.dot_dimension_numbers<[1], [0], [0], [1], [0, 0, 1, 1], [], []>, transpose_lhs_hint = false} : vector<32x32xf32>, vector<32x512xf32>, vector<32x512xf32> -> vector<32x512xf32>
    %get3A_17 = arith.constant 0 : index
    %get3A_18 = arith.constant 0 : index
    %get3A_19 = vector.load %arg6[%get3A_17, %get3A_18] : memref<32x1xf32, #tpu.memory_space<vmem>>, vector<32x1xf32>
    %add3A_20 = vector.broadcast %get3A_19 : vector<32x1xf32> to vector<32x512xf32>
    %add3A_21 = arith.addf %dot_general3A_16, %add3A_20 : vector<32x512xf32>
    %max3A_22 = arith.constant 0.000000e+00 : f32
    %max3A_23 = vector.broadcast %max3A_22 : f32 to vector<32x512xf32>
    %max3A_24 = arith.maximumf %add3A_21, %max3A_23 : vector<32x512xf32>
    %get3A_25 = arith.constant 0 : index
    %get3A_26 = arith.constant 0 : index
    %get3A_27 = vector.load %arg7[%get3A_25, %get3A_26] : memref<32x32xf32, #tpu.memory_space<vmem>>, vector<32x32xf32>
    %dot_general3A_28 = arith.constant dense<0.000000e+00> : vector<32x512xf32>
    %dot_general3A_29 = tpu.matmul %get3A_27, %max3A_24, %dot_general3A_28 {dimension_numbers = #tpu.dot_dimension_numbers<[1], [0], [0], [1], [0, 0, 1, 1], [], []>, transpose_lhs_hint = false} : vector<32x32xf32>, vector<32x512xf32>, vector<32x512xf32> -> vector<32x512xf32>
    %get3A_30 = arith.constant 0 : index
    %get3A_31 = arith.constant 0 : index
    %get3A_32 = vector.load %arg8[%get3A_30, %get3A_31] : memref<32x1xf32, #tpu.memory_space<vmem>>, vector<32x1xf32>
    %add3A_33 = vector.broadcast %get3A_32 : vector<32x1xf32> to vector<32x512xf32>
    %add3A_34 = arith.addf %dot_general3A_29, %add3A_33 : vector<32x512xf32>
    %max3A_35 = arith.constant 0.000000e+00 : f32
    %max3A_36 = vector.broadcast %max3A_35 : f32 to vector<32x512xf32>
    %max3A_37 = arith.maximumf %add3A_34, %max3A_36 : vector<32x512xf32>
    %get3A_38 = arith.constant 0 : index
    %get3A_39 = arith.constant 0 : index
    %get3A_40 = vector.load %arg9[%get3A_38, %get3A_39] : memref<32x32xf32, #tpu.memory_space<vmem>>, vector<32x32xf32>
    %dot_general3A_41 = arith.constant dense<0.000000e+00> : vector<32x512xf32>
    %dot_general3A_42 = tpu.matmul %get3A_40, %max3A_37, %dot_general3A_41 {dimension_numbers = #tpu.dot_dimension_numbers<[1], [0], [0], [1], [0, 0, 1, 1], [], []>, transpose_lhs_hint = false} : vector<32x32xf32>, vector<32x512xf32>, vector<32x512xf32> -> vector<32x512xf32>
    %get3A_43 = arith.constant 0 : index
    %get3A_44 = arith.constant 0 : index
    %get3A_45 = vector.load %arg10[%get3A_43, %get3A_44] : memref<32x1xf32, #tpu.memory_space<vmem>>, vector<32x1xf32>
    %add3A_46 = vector.broadcast %get3A_45 : vector<32x1xf32> to vector<32x512xf32>
    %add3A_47 = arith.addf %dot_general3A_42, %add3A_46 : vector<32x512xf32>
    %slice3A = vector.extract_strided_slice %add3A_47 {offsets = [0, 0], sizes = [8, 512], strides = [1, 1]} : vector<32x512xf32> to vector<8x512xf32>
    %slice3A_48 = vector.extract_strided_slice %add3A_47 {offsets = [8, 0], sizes = [8, 512], strides = [1, 1]} : vector<32x512xf32> to vector<8x512xf32>
    %slice3A_49 = vector.extract_strided_slice %add3A_47 {offsets = [16, 0], sizes = [8, 512], strides = [1, 1]} : vector<32x512xf32> to vector<8x512xf32>
    %slice3A_50 = vector.extract_strided_slice %add3A_47 {offsets = [24, 0], sizes = [8, 512], strides = [1, 1]} : vector<32x512xf32> to vector<8x512xf32>
    %mul3A = arith.mulf %slice3A_48, %slice3A_48 : vector<8x512xf32>
    %mul3A_51 = arith.mulf %slice3A_49, %slice3A_49 : vector<8x512xf32>
    %add3A_52 = arith.addf %mul3A, %mul3A_51 : vector<8x512xf32>
    %sqrt3A = math.sqrt %add3A_52 : vector<8x512xf32>
    %max3A_53 = arith.constant 9.99999996E-13 : f32
    %max3A_54 = vector.broadcast %max3A_53 : f32 to vector<8x512xf32>
    %max3A_55 = arith.maximumf %sqrt3A, %max3A_54 : vector<8x512xf32>
    %div3A = arith.divf %slice3A_48, %max3A_55 : vector<8x512xf32>
    %div3A_56 = arith.divf %slice3A_49, %max3A_55 : vector<8x512xf32>
    %neg3A = arith.constant 0.000000e+00 : f32
    %neg3A_57 = vector.broadcast %neg3A : f32 to vector<8x512xf32>
    %neg3A_58 = arith.subf %neg3A_57, %slice3A_50 : vector<8x512xf32>
    %exp3A = math.exp %neg3A_58 : vector<8x512xf32>
    %add3A_59 = arith.constant 1.000000e+00 : f32
    %add3A_60 = vector.broadcast %add3A_59 : f32 to vector<8x512xf32>
    %add3A_61 = arith.addf %add3A_60, %exp3A : vector<8x512xf32>
    %div3A_62 = arith.constant 1.000000e+00 : f32
    %div3A_63 = vector.broadcast %div3A_62 : f32 to vector<8x512xf32>
    %div3A_64 = arith.divf %div3A_63, %add3A_61 : vector<8x512xf32>
    %mul3A_65 = arith.constant 1.600000e+01 : f32
    %mul3A_66 = vector.broadcast %mul3A_65 : f32 to vector<8x512xf32>
    %mul3A_67 = arith.mulf %div3A_64, %mul3A_66 : vector<8x512xf32>
    %round3A = math.roundeven %mul3A_67 : vector<8x512xf32>
    %jit3A = arith.constant 0.000000e+00 : f32
    %jit3A_68 = arith.constant 1.500000e+01 : f32
    %max3A_69 = vector.broadcast %jit3A : f32 to vector<8x512xf32>
    %max3A_70 = arith.maximumf %max3A_69, %round3A : vector<8x512xf32>
    %min3A = vector.broadcast %jit3A_68 : f32 to vector<8x512xf32>
    %min3A_71 = arith.minimumf %min3A, %max3A_70 : vector<8x512xf32>
    %convert_element_type3A = arith.fptosi %min3A_71 : vector<8x512xf32> to vector<8x512xi32>
    %get3A_72 = arith.constant 0 : index
    %get3A_73 = arith.constant 0 : index
    %get3A_74 = vector.load %arg11[%get3A_72, %get3A_73] : memref<8x16xf32, #tpu.memory_space<vmem>>, vector<8x16xf32>
    %broadcast_in_dim3A = arith.constant 0.000000e+00 : f32
    %broadcast_in_dim3A_75 = vector.broadcast %broadcast_in_dim3A : f32 to vector<8x512xf32>
    %eq3A = arith.constant 0 : i32
    %eq3A_76 = vector.broadcast %eq3A : i32 to vector<8x512xi32>
    %eq3A_77 = arith.cmpi eq, %convert_element_type3A, %eq3A_76 : vector<8x512xi32>
    %slice3A_78 = vector.extract_strided_slice %get3A_74 {offsets = [0, 0], sizes = [8, 1], strides = [1, 1]} : vector<8x16xf32> to vector<8x1xf32>
    %broadcast_in_dim3A_79 = vector.shape_cast %slice3A_78 : vector<8x1xf32> to vector<8x1xf32>
    %broadcast_in_dim3A_80 = vector.broadcast %broadcast_in_dim3A_79 : vector<8x1xf32> to vector<8x512xf32>
    %select_n3A = arith.select %eq3A_77, %broadcast_in_dim3A_80, %broadcast_in_dim3A_75 : vector<8x512xi1>, vector<8x512xf32>
    %eq3A_81 = arith.constant 1 : i32
    %eq3A_82 = vector.broadcast %eq3A_81 : i32 to vector<8x512xi32>
    %eq3A_83 = arith.cmpi eq, %convert_element_type3A, %eq3A_82 : vector<8x512xi32>
    %slice3A_84 = vector.extract_strided_slice %get3A_74 {offsets = [0, 1], sizes = [8, 1], strides = [1, 1]} : vector<8x16xf32> to vector<8x1xf32>
    %broadcast_in_dim3A_85 = vector.shape_cast %slice3A_84 : vector<8x1xf32> to vector<8x1xf32>
    %broadcast_in_dim3A_86 = vector.broadcast %broadcast_in_dim3A_85 : vector<8x1xf32> to vector<8x512xf32>
    %select_n3A_87 = arith.select %eq3A_83, %broadcast_in_dim3A_86, %select_n3A : vector<8x512xi1>, vector<8x512xf32>
    %eq3A_88 = arith.constant 2 : i32
    %eq3A_89 = vector.broadcast %eq3A_88 : i32 to vector<8x512xi32>
    %eq3A_90 = arith.cmpi eq, %convert_element_type3A, %eq3A_89 : vector<8x512xi32>
    %slice3A_91 = vector.extract_strided_slice %get3A_74 {offsets = [0, 2], sizes = [8, 1], strides = [1, 1]} : vector<8x16xf32> to vector<8x1xf32>
    %broadcast_in_dim3A_92 = vector.shape_cast %slice3A_91 : vector<8x1xf32> to vector<8x1xf32>
    %broadcast_in_dim3A_93 = vector.broadcast %broadcast_in_dim3A_92 : vector<8x1xf32> to vector<8x512xf32>
    %select_n3A_94 = arith.select %eq3A_90, %broadcast_in_dim3A_93, %select_n3A_87 : vector<8x512xi1>, vector<8x512xf32>
    %eq3A_95 = arith.constant 3 : i32
    %eq3A_96 = vector.broadcast %eq3A_95 : i32 to vector<8x512xi32>
    %eq3A_97 = arith.cmpi eq, %convert_element_type3A, %eq3A_96 : vector<8x512xi32>
    %slice3A_98 = vector.extract_strided_slice %get3A_74 {offsets = [0, 3], sizes = [8, 1], strides = [1, 1]} : vector<8x16xf32> to vector<8x1xf32>
    %broadcast_in_dim3A_99 = vector.shape_cast %slice3A_98 : vector<8x1xf32> to vector<8x1xf32>
    %broadcast_in_dim3A_100 = vector.broadcast %broadcast_in_dim3A_99 : vector<8x1xf32> to vector<8x512xf32>
    %select_n3A_101 = arith.select %eq3A_97, %broadcast_in_dim3A_100, %select_n3A_94 : vector<8x512xi1>, vector<8x512xf32>
    %eq3A_102 = arith.constant 4 : i32
    %eq3A_103 = vector.broadcast %eq3A_102 : i32 to vector<8x512xi32>
    %eq3A_104 = arith.cmpi eq, %convert_element_type3A, %eq3A_103 : vector<8x512xi32>
    %slice3A_105 = vector.extract_strided_slice %get3A_74 {offsets = [0, 4], sizes = [8, 1], strides = [1, 1]} : vector<8x16xf32> to vector<8x1xf32>
    %broadcast_in_dim3A_106 = vector.shape_cast %slice3A_105 : vector<8x1xf32> to vector<8x1xf32>
    %broadcast_in_dim3A_107 = vector.broadcast %broadcast_in_dim3A_106 : vector<8x1xf32> to vector<8x512xf32>
    %select_n3A_108 = arith.select %eq3A_104, %broadcast_in_dim3A_107, %select_n3A_101 : vector<8x512xi1>, vector<8x512xf32>
    %eq3A_109 = arith.constant 5 : i32
    %eq3A_110 = vector.broadcast %eq3A_109 : i32 to vector<8x512xi32>
    %eq3A_111 = arith.cmpi eq, %convert_element_type3A, %eq3A_110 : vector<8x512xi32>
    %slice3A_112 = vector.extract_strided_slice %get3A_74 {offsets = [0, 5], sizes = [8, 1], strides = [1, 1]} : vector<8x16xf32> to vector<8x1xf32>
    %broadcast_in_dim3A_113 = vector.shape_cast %slice3A_112 : vector<8x1xf32> to vector<8x1xf32>
    %broadcast_in_dim3A_114 = vector.broadcast %broadcast_in_dim3A_113 : vector<8x1xf32> to vector<8x512xf32>
    %select_n3A_115 = arith.select %eq3A_111, %broadcast_in_dim3A_114, %select_n3A_108 : vector<8x512xi1>, vector<8x512xf32>
    %eq3A_116 = arith.constant 6 : i32
    %eq3A_117 = vector.broadcast %eq3A_116 : i32 to vector<8x512xi32>
    %eq3A_118 = arith.cmpi eq, %convert_element_type3A, %eq3A_117 : vector<8x512xi32>
    %slice3A_119 = vector.extract_strided_slice %get3A_74 {offsets = [0, 6], sizes = [8, 1], strides = [1, 1]} : vector<8x16xf32> to vector<8x1xf32>
    %broadcast_in_dim3A_120 = vector.shape_cast %slice3A_119 : vector<8x1xf32> to vector<8x1xf32>
    %broadcast_in_dim3A_121 = vector.broadcast %broadcast_in_dim3A_120 : vector<8x1xf32> to vector<8x512xf32>
    %select_n3A_122 = arith.select %eq3A_118, %broadcast_in_dim3A_121, %select_n3A_115 : vector<8x512xi1>, vector<8x512xf32>
    %eq3A_123 = arith.constant 7 : i32
    %eq3A_124 = vector.broadcast %eq3A_123 : i32 to vector<8x512xi32>
    %eq3A_125 = arith.cmpi eq, %convert_element_type3A, %eq3A_124 : vector<8x512xi32>
    %slice3A_126 = vector.extract_strided_slice %get3A_74 {offsets = [0, 7], sizes = [8, 1], strides = [1, 1]} : vector<8x16xf32> to vector<8x1xf32>
    %broadcast_in_dim3A_127 = vector.shape_cast %slice3A_126 : vector<8x1xf32> to vector<8x1xf32>
    %broadcast_in_dim3A_128 = vector.broadcast %broadcast_in_dim3A_127 : vector<8x1xf32> to vector<8x512xf32>
    %select_n3A_129 = arith.select %eq3A_125, %broadcast_in_dim3A_128, %select_n3A_122 : vector<8x512xi1>, vector<8x512xf32>
    %eq3A_130 = arith.constant 8 : i32
    %eq3A_131 = vector.broadcast %eq3A_130 : i32 to vector<8x512xi32>
    %eq3A_132 = arith.cmpi eq, %convert_element_type3A, %eq3A_131 : vector<8x512xi32>
    %slice3A_133 = vector.extract_strided_slice %get3A_74 {offsets = [0, 8], sizes = [8, 1], strides = [1, 1]} : vector<8x16xf32> to vector<8x1xf32>
    %broadcast_in_dim3A_134 = vector.shape_cast %slice3A_133 : vector<8x1xf32> to vector<8x1xf32>
    %broadcast_in_dim3A_135 = vector.broadcast %broadcast_in_dim3A_134 : vector<8x1xf32> to vector<8x512xf32>
    %select_n3A_136 = arith.select %eq3A_132, %broadcast_in_dim3A_135, %select_n3A_129 : vector<8x512xi1>, vector<8x512xf32>
    %eq3A_137 = arith.constant 9 : i32
    %eq3A_138 = vector.broadcast %eq3A_137 : i32 to vector<8x512xi32>
    %eq3A_139 = arith.cmpi eq, %convert_element_type3A, %eq3A_138 : vector<8x512xi32>
    %slice3A_140 = vector.extract_strided_slice %get3A_74 {offsets = [0, 9], sizes = [8, 1], strides = [1, 1]} : vector<8x16xf32> to vector<8x1xf32>
    %broadcast_in_dim3A_141 = vector.shape_cast %slice3A_140 : vector<8x1xf32> to vector<8x1xf32>
    %broadcast_in_dim3A_142 = vector.broadcast %broadcast_in_dim3A_141 : vector<8x1xf32> to vector<8x512xf32>
    %select_n3A_143 = arith.select %eq3A_139, %broadcast_in_dim3A_142, %select_n3A_136 : vector<8x512xi1>, vector<8x512xf32>
    %eq3A_144 = arith.constant 10 : i32
    %eq3A_145 = vector.broadcast %eq3A_144 : i32 to vector<8x512xi32>
    %eq3A_146 = arith.cmpi eq, %convert_element_type3A, %eq3A_145 : vector<8x512xi32>
    %slice3A_147 = vector.extract_strided_slice %get3A_74 {offsets = [0, 10], sizes = [8, 1], strides = [1, 1]} : vector<8x16xf32> to vector<8x1xf32>
    %broadcast_in_dim3A_148 = vector.shape_cast %slice3A_147 : vector<8x1xf32> to vector<8x1xf32>
    %broadcast_in_dim3A_149 = vector.broadcast %broadcast_in_dim3A_148 : vector<8x1xf32> to vector<8x512xf32>
    %select_n3A_150 = arith.select %eq3A_146, %broadcast_in_dim3A_149, %select_n3A_143 : vector<8x512xi1>, vector<8x512xf32>
    %eq3A_151 = arith.constant 11 : i32
    %eq3A_152 = vector.broadcast %eq3A_151 : i32 to vector<8x512xi32>
    %eq3A_153 = arith.cmpi eq, %convert_element_type3A, %eq3A_152 : vector<8x512xi32>
    %slice3A_154 = vector.extract_strided_slice %get3A_74 {offsets = [0, 11], sizes = [8, 1], strides = [1, 1]} : vector<8x16xf32> to vector<8x1xf32>
    %broadcast_in_dim3A_155 = vector.shape_cast %slice3A_154 : vector<8x1xf32> to vector<8x1xf32>
    %broadcast_in_dim3A_156 = vector.broadcast %broadcast_in_dim3A_155 : vector<8x1xf32> to vector<8x512xf32>
    %select_n3A_157 = arith.select %eq3A_153, %broadcast_in_dim3A_156, %select_n3A_150 : vector<8x512xi1>, vector<8x512xf32>
    %eq3A_158 = arith.constant 12 : i32
    %eq3A_159 = vector.broadcast %eq3A_158 : i32 to vector<8x512xi32>
    %eq3A_160 = arith.cmpi eq, %convert_element_type3A, %eq3A_159 : vector<8x512xi32>
    %slice3A_161 = vector.extract_strided_slice %get3A_74 {offsets = [0, 12], sizes = [8, 1], strides = [1, 1]} : vector<8x16xf32> to vector<8x1xf32>
    %broadcast_in_dim3A_162 = vector.shape_cast %slice3A_161 : vector<8x1xf32> to vector<8x1xf32>
    %broadcast_in_dim3A_163 = vector.broadcast %broadcast_in_dim3A_162 : vector<8x1xf32> to vector<8x512xf32>
    %select_n3A_164 = arith.select %eq3A_160, %broadcast_in_dim3A_163, %select_n3A_157 : vector<8x512xi1>, vector<8x512xf32>
    %eq3A_165 = arith.constant 13 : i32
    %eq3A_166 = vector.broadcast %eq3A_165 : i32 to vector<8x512xi32>
    %eq3A_167 = arith.cmpi eq, %convert_element_type3A, %eq3A_166 : vector<8x512xi32>
    %slice3A_168 = vector.extract_strided_slice %get3A_74 {offsets = [0, 13], sizes = [8, 1], strides = [1, 1]} : vector<8x16xf32> to vector<8x1xf32>
    %broadcast_in_dim3A_169 = vector.shape_cast %slice3A_168 : vector<8x1xf32> to vector<8x1xf32>
    %broadcast_in_dim3A_170 = vector.broadcast %broadcast_in_dim3A_169 : vector<8x1xf32> to vector<8x512xf32>
    %select_n3A_171 = arith.select %eq3A_167, %broadcast_in_dim3A_170, %select_n3A_164 : vector<8x512xi1>, vector<8x512xf32>
    %eq3A_172 = arith.constant 14 : i32
    %eq3A_173 = vector.broadcast %eq3A_172 : i32 to vector<8x512xi32>
    %eq3A_174 = arith.cmpi eq, %convert_element_type3A, %eq3A_173 : vector<8x512xi32>
    %slice3A_175 = vector.extract_strided_slice %get3A_74 {offsets = [0, 14], sizes = [8, 1], strides = [1, 1]} : vector<8x16xf32> to vector<8x1xf32>
    %broadcast_in_dim3A_176 = vector.shape_cast %slice3A_175 : vector<8x1xf32> to vector<8x1xf32>
    %broadcast_in_dim3A_177 = vector.broadcast %broadcast_in_dim3A_176 : vector<8x1xf32> to vector<8x512xf32>
    %select_n3A_178 = arith.select %eq3A_174, %broadcast_in_dim3A_177, %select_n3A_171 : vector<8x512xi1>, vector<8x512xf32>
    %eq3A_179 = arith.constant 15 : i32
    %eq3A_180 = vector.broadcast %eq3A_179 : i32 to vector<8x512xi32>
    %eq3A_181 = arith.cmpi eq, %convert_element_type3A, %eq3A_180 : vector<8x512xi32>
    %slice3A_182 = vector.extract_strided_slice %get3A_74 {offsets = [0, 15], sizes = [8, 1], strides = [1, 1]} : vector<8x16xf32> to vector<8x1xf32>
    %broadcast_in_dim3A_183 = vector.shape_cast %slice3A_182 : vector<8x1xf32> to vector<8x1xf32>
    %broadcast_in_dim3A_184 = vector.broadcast %broadcast_in_dim3A_183 : vector<8x1xf32> to vector<8x512xf32>
    %select_n3A_185 = arith.select %eq3A_181, %broadcast_in_dim3A_184, %select_n3A_178 : vector<8x512xi1>, vector<8x512xf32>
    %max3A_186 = arith.constant 0.000000e+00 : f32
    %max3A_187 = vector.broadcast %max3A_186 : f32 to vector<8x512xf32>
    %max3A_188 = arith.maximumf %slice3A, %max3A_187 : vector<8x512xf32>
    %mul3A_189 = arith.mulf %max3A_188, %select_n3A_185 : vector<8x512xf32>
    %abs3A = math.absf %mul3A_189 : vector<8x512xf32>
    %reduce_sum3A = arith.constant dense<0.000000e+00> : vector<512xf32>
    %reduce_sum3A_190 = vector.multi_reduction <add>, %abs3A, %reduce_sum3A [0] : vector<8x512xf32> to vector<512xf32>
    %broadcast_in_dim3A_191 = vector.shape_cast %reduce_sum3A_190 : vector<512xf32> to vector<1x512xf32>
    %max3A_192 = arith.constant 9.99999996E-13 : f32
    %max3A_193 = vector.broadcast %max3A_192 : f32 to vector<1x512xf32>
    %max3A_194 = arith.maximumf %broadcast_in_dim3A_191, %max3A_193 : vector<1x512xf32>
    %div3A_195 = vector.broadcast %max3A_194 : vector<1x512xf32> to vector<8x512xf32>
    %div3A_196 = arith.divf %mul3A_189, %div3A_195 : vector<8x512xf32>
    %get3A_197 = arith.constant 0 : index
    %get3A_198 = arith.constant 0 : index
    %get3A_199 = vector.load %arg2[%get3A_197, %get3A_198] : memref<2x512xf32, #tpu.memory_space<vmem>>, vector<1x512xf32>
    %get3A_200 = arith.constant 1 : index
    %get3A_201 = arith.constant 0 : index
    %get3A_202 = vector.load %arg2[%get3A_200, %get3A_201] : memref<2x512xf32, #tpu.memory_space<vmem>>, vector<1x512xf32>
    %mul3A_203 = vector.broadcast %get3A_199 : vector<1x512xf32> to vector<8x512xf32>
    %mul3A_204 = arith.mulf %div3A, %mul3A_203 : vector<8x512xf32>
    %mul3A_205 = vector.broadcast %get3A_202 : vector<1x512xf32> to vector<8x512xf32>
    %mul3A_206 = arith.mulf %div3A_56, %mul3A_205 : vector<8x512xf32>
    %sub3A = arith.subf %mul3A_204, %mul3A_206 : vector<8x512xf32>
    %mul3A_207 = vector.broadcast %get3A_199 : vector<1x512xf32> to vector<8x512xf32>
    %mul3A_208 = arith.mulf %div3A_56, %mul3A_207 : vector<8x512xf32>
    %mul3A_209 = vector.broadcast %get3A_202 : vector<1x512xf32> to vector<8x512xf32>
    %mul3A_210 = arith.mulf %div3A, %mul3A_209 : vector<8x512xf32>
    %add3A_211 = arith.addf %mul3A_208, %mul3A_210 : vector<8x512xf32>
    %floor3A = math.floor %sub3A : vector<8x512xf32>
    %sub3A_212 = arith.subf %sub3A, %floor3A : vector<8x512xf32>
    %floor3A_213 = math.floor %add3A_211 : vector<8x512xf32>
    %sub3A_214 = arith.subf %add3A_211, %floor3A_213 : vector<8x512xf32>
    %mul3A_215 = arith.constant 5.120000e+02 : f32
    %mul3A_216 = vector.broadcast %mul3A_215 : f32 to vector<8x512xf32>
    %mul3A_217 = arith.mulf %sub3A_212, %mul3A_216 : vector<8x512xf32>
    %floor3A_218 = math.floor %mul3A_217 : vector<8x512xf32>
    %jit3A_219 = arith.constant 0.000000e+00 : f32
    %jit3A_220 = arith.constant 5.110000e+02 : f32
    %max3A_221 = vector.broadcast %jit3A_219 : f32 to vector<8x512xf32>
    %max3A_222 = arith.maximumf %max3A_221, %floor3A_218 : vector<8x512xf32>
    %min3A_223 = vector.broadcast %jit3A_220 : f32 to vector<8x512xf32>
    %min3A_224 = arith.minimumf %min3A_223, %max3A_222 : vector<8x512xf32>
    %convert_element_type3A_225 = arith.fptosi %min3A_224 : vector<8x512xf32> to vector<8x512xi32>
    %mul3A_226 = arith.constant 5.120000e+02 : f32
    %mul3A_227 = vector.broadcast %mul3A_226 : f32 to vector<8x512xf32>
    %mul3A_228 = arith.mulf %sub3A_214, %mul3A_227 : vector<8x512xf32>
    %floor3A_229 = math.floor %mul3A_228 : vector<8x512xf32>
    %jit3A_230 = arith.constant 0.000000e+00 : f32
    %jit3A_231 = arith.constant 5.110000e+02 : f32
    %max3A_232 = vector.broadcast %jit3A_230 : f32 to vector<8x512xf32>
    %max3A_233 = arith.maximumf %max3A_232, %floor3A_229 : vector<8x512xf32>
    %min3A_234 = vector.broadcast %jit3A_231 : f32 to vector<8x512xf32>
    %min3A_235 = arith.minimumf %min3A_234, %max3A_233 : vector<8x512xf32>
    %convert_element_type3A_236 = arith.fptosi %min3A_235 : vector<8x512xf32> to vector<8x512xi32>
    %iota3A = tpu.iota {dimensions = array<i32: 0>} : vector<8x512xi32>
    %mul3A_237 = arith.constant 2097152 : i32
    %mul3A_238 = vector.broadcast %mul3A_237 : i32 to vector<8x512xi32>
    %mul3A_239 = arith.muli %convert_element_type3A, %mul3A_238 : vector<8x512xi32>
    %mul3A_240 = arith.constant 262144 : i32
    %mul3A_241 = vector.broadcast %mul3A_240 : i32 to vector<8x512xi32>
    %mul3A_242 = arith.muli %iota3A, %mul3A_241 : vector<8x512xi32>
    %add3A_243 = arith.addi %mul3A_239, %mul3A_242 : vector<8x512xi32>
    %mul3A_244 = arith.constant 512 : i32
    %mul3A_245 = vector.broadcast %mul3A_244 : i32 to vector<8x512xi32>
    %mul3A_246 = arith.muli %convert_element_type3A_236, %mul3A_245 : vector<8x512xi32>
    %add3A_247 = arith.addi %add3A_243, %mul3A_246 : vector<8x512xi32>
    %add3A_248 = arith.addi %add3A_247, %convert_element_type3A_225 : vector<8x512xi32>
    %swap3A = arith.constant 0 : index
    %swap3A_249 = arith.constant 0 : index
    %swap3A_250 = arith.constant 0 : index
    %swap3A_251 = vector.load %arg12[%swap3A, %swap3A_249, %swap3A_250] : memref<1x8x512xi32, #tpu.memory_space<vmem>>, vector<1x8x512xi32>
    %swap3A_252 = vector.shape_cast %swap3A_251 : vector<1x8x512xi32> to vector<8x512xi32>
    %swap3A_253 = vector.shape_cast %add3A_248 : vector<8x512xi32> to vector<1x8x512xi32>
    tpu.vector_store %arg12[%swap3A, %swap3A_249, %swap3A_250], %swap3A_253 {strides = array<i32>} : memref<1x8x512xi32, #tpu.memory_space<vmem>>, vector<1x8x512xi32>,
    %swap3A_254 = arith.constant 0 : index
    %swap3A_255 = arith.constant 0 : index
    %swap3A_256 = arith.constant 0 : index
    %swap3A_257 = vector.load %arg13[%swap3A_254, %swap3A_255, %swap3A_256] : memref<1x8x512xf32, #tpu.memory_space<vmem>>, vector<1x8x512xf32>
    %swap3A_258 = vector.shape_cast %swap3A_257 : vector<1x8x512xf32> to vector<8x512xf32>
    %swap3A_259 = vector.shape_cast %div3A_196 : vector<8x512xf32> to vector<1x8x512xf32>
    tpu.vector_store %arg13[%swap3A_254, %swap3A_255, %swap3A_256], %swap3A_259 {strides = array<i32>} : memref<1x8x512xf32, #tpu.memory_space<vmem>>, vector<1x8x512xf32>,
    return
  }
  func.func @transform_0(%arg0: i32) -> (i32, i32) {
    %c0_i32 = arith.constant 0 : i32
    %c0_i32_0 = arith.constant 0 : i32
    return %c0_i32, %arg0 : i32, i32
  }
  func.func @transform_1(%arg0: i32) -> (i32, i32) {
    %c0_i32 = arith.constant 0 : i32
    %c0_i32_0 = arith.constant 0 : i32
    return %c0_i32, %arg0 : i32, i32
  }
  func.func @transform_2(%arg0: i32) -> (i32, i32) {
    %c0_i32 = arith.constant 0 : i32
    %c0_i32_0 = arith.constant 0 : i32
    %c0_i32_1 = arith.constant 0 : i32
    return %c0_i32, %c0_i32_0 : i32, i32
  }
  func.func @transform_3(%arg0: i32) -> (i32, i32) {
    %c0_i32 = arith.constant 0 : i32
    %c0_i32_0 = arith.constant 0 : i32
    %c0_i32_1 = arith.constant 0 : i32
    return %c0_i32, %c0_i32_0 : i32, i32
  }
  func.func @transform_4(%arg0: i32) -> (i32, i32) {
    %c0_i32 = arith.constant 0 : i32
    %c0_i32_0 = arith.constant 0 : i32
    %c0_i32_1 = arith.constant 0 : i32
    return %c0_i32, %c0_i32_0 : i32, i32
  }
  func.func @transform_5(%arg0: i32) -> (i32, i32) {
    %c0_i32 = arith.constant 0 : i32
    %c0_i32_0 = arith.constant 0 : i32
    %c0_i32_1 = arith.constant 0 : i32
    return %c0_i32, %c0_i32_0 : i32, i32
  }
  func.func @transform_6(%arg0: i32) -> (i32, i32) {
    %c0_i32 = arith.constant 0 : i32
    %c0_i32_0 = arith.constant 0 : i32
    %c0_i32_1 = arith.constant 0 : i32
    return %c0_i32, %c0_i32_0 : i32, i32
  }
  func.func @transform_7(%arg0: i32) -> (i32, i32) {
    %c0_i32 = arith.constant 0 : i32
    %c0_i32_0 = arith.constant 0 : i32
    %c0_i32_1 = arith.constant 0 : i32
    return %c0_i32, %c0_i32_0 : i32, i32
  }
  func.func @transform_8(%arg0: i32) -> (i32, i32) {
    %c0_i32 = arith.constant 0 : i32
    %c0_i32_0 = arith.constant 0 : i32
    %c0_i32_1 = arith.constant 0 : i32
    return %c0_i32, %c0_i32_0 : i32, i32
  }
  func.func @transform_9(%arg0: i32) -> (i32, i32) {
    %c0_i32 = arith.constant 0 : i32
    %c0_i32_0 = arith.constant 0 : i32
    %c0_i32_1 = arith.constant 0 : i32
    return %c0_i32, %c0_i32_0 : i32, i32
  }
  func.func @transform_10(%arg0: i32) -> (i32, i32) {
    %c0_i32 = arith.constant 0 : i32
    %c0_i32_0 = arith.constant 0 : i32
    %c0_i32_1 = arith.constant 0 : i32
    return %c0_i32, %c0_i32_0 : i32, i32
  }
  func.func @transform_11(%arg0: i32) -> (i32, i32, i32) {
    %c0_i32 = arith.constant 0 : i32
    %c0_i32_0 = arith.constant 0 : i32
    %c0_i32_1 = arith.constant 0 : i32
    return %arg0, %c0_i32, %c0_i32_0 : i32, i32, i32
  }
  func.func @transform_12(%arg0: i32) -> (i32, i32, i32) {
    %c0_i32 = arith.constant 0 : i32
    %c0_i32_0 = arith.constant 0 : i32
    %c0_i32_1 = arith.constant 0 : i32
    return %arg0, %c0_i32, %c0_i32_0 : i32, i32, i32
  }
}

</mosaic_0001>

<sc_bundles>
// kernel: kernel.4.cloned.1.call-start
scs
__scs_entry_jumppad:
0x0: {  	(pc) =	sbr.rel $0x88, $3  }
0x1: {  	(tag) =	ssettag $0x0;
	lr =	simm.s32 $0x1  }
0x2: {  	[smem:$0x3F95] =	sst lr;
	_ =	strace $0xD0000000  }
0x3: {  	_ = 	snop  }
0x4: {  	_ = 	snop  }
0x5: {  	_ = 	snop  }
0x6: {  	_ = 	snop  }
0x7: {  	_ = 	snop  }
__scs_overlays_trampoline_lowered:
0x8: {  	[smem:$0x3FA4] =	sst s0  }
0x9: {  	[smem:$0x3FA5] =	sst s1  }
0xa: {  	[smem:$0x3FA6] =	sst s2  }
0xb: {  	[smem:$0x3FA7] =	sst s3  }
0xc: {  	[smem:$0x3FA8] =	sst s4  }
0xd: {  	[smem:$0x3FA9] =	sst s5  }
0xe: {  	[smem:$0x3FAA] =	sst s6  }
0xf: {  	[smem:$0x3FAB] =	sst s7  }
0x10: {  	[smem:$0x3FAC] =	sst s8  }
0x11: {  	[smem:$0x3FAD] =	sst s9;
	s0 =	simm.s32 @!p0 $0x0  }
0x12: {  	s1 =	sld [smem:$0x3F93];
	s0 =	simm.s32 @p0 $0x1  }
0x13: {  	[smem:$0x3FAE] =	sst s0;
	s0 =	simm.s32 @!p1 $0x0  }
0x14: {  	s2 =	sld [smem:$0x3F92];
	s0 =	simm.s32 @p1 $0x1  }
0x15: {  	[smem:$0x3FAF] =	sst s0;
	s0 =	simm.s32 @!p2 $0x0  }
0x16: {  	s3 =	sld [smem:$0x3FDB];
	s0 =	simm.s32 @p2 $0x1  }
0x17: {  	s4 =	simm.s32 $0x1BF5;
	[smem:$0x3FB1] =	sst s0  }
0x18: {  	s0 =	sld [smem:$0x3F94];
	_ =	swait.ge [sflag:s4], $0x0  }
0x19: {  	s7 =	sld [smem:$0x3F95]  }
0x1a: {  	s8 =	sadd.s32 $0xFFFFE003, lr  }
0x1b: {  	s9 =	sadd.s32 $0xFFFFFEF7, lr;
	s5 =	simm.s32 $0xFFFFFFFF;
	p2 =	slt.u32 s8, $0xFFFFF086  }
0x1c: {  	p1 =	slt.u32 s9, $0xF7A;
	s5 =	simm.s32 @!p2 $0x0  }
0x1d: {  	s5 =	simm.s32 @p1 $0x1;
	p0 =	seq.s32 s7, s2  }
0x1e: {  	s7 =	smul.u32 @!p0 $0xF7A, s2;
	p2 =	seq.s32 @!p0 s5, $0x0  }
0x1f: {  	s9 =	smul.u32 $0xF7A, s1;
	s8 =	simm.s32 @!p0 $0x1BF5;
	p2 =	por !p2, p0  }
0x20: {  	[sflag:s8] =	ssyncset.s32 @!p0 $0xFFFFF086;
	s6 =	sadd.s32 @!p0 s3, s7;
	s7 =	simm.s32 @!p0 $0x108  }
0x21: {  	s3 =	sadd.s32 s3, s9;
	s6 =	sadd.s32 @!p0 $0x88, s6;
	s7 =	simm.s32 @p2 $0x1082  }
0x22: {  	[simem:s7], [sflag:s8] =	dma.local @!p0 [hbm:s6], $0xF7A  }
0x23: {  	s9 =	sor.u32 $0xD0000000, s2;
	s6 =	simm.s32 $0x108;
	_ =	swait.ge @!p0 [sflag:s8], $0x0  }
0x24: {  	s3 =	sadd.s32 $0x88, s3;
	s6 =	simm.s32 @!p1 $0x1082;
	[sflag:s4] =	ssyncset.s32 $0xFFFFF086  }
0x25: {  	[simem:s6], [sflag:s4] =	dma.local [hbm:s3], $0xF7A  }
0x26: {  	[smem:$0x3F95] =	sst s1;
	(tag) =	ssettag s2;
	_ =	strace s9  }
0x27: {  	s1 =	sld [smem:$0x3FA5]  }
0x28: {  	s2 =	sld [smem:$0x3FA6]  }
0x29: {  	s4 =	sld [smem:$0x3FA8]  }
0x2a: {  	p0 =	seq.s32 s5, $0x0;
	s5 =	sld [smem:$0x3FA9]  }
0x2b: {  	s6 =	sld [smem:$0x3FAA]  }
0x2c: {  	s7 =	sld [smem:$0x3FAB]  }
0x2d: {  	s3 =	simm.s32 $0x108;
	s8 =	sld [smem:$0x3FAC]  }
0x2e: {  	s3 =	simm.s32 @!p0 $0x1082;
	s9 =	sld [smem:$0x3FAD]  }
0x2f: {  	lr =	sadd.s32 s0, s3;
	s0 =	sld [smem:$0x3FA4]  }
0x30: {  	s3 =	sld [smem:$0x3FA7]  }
0x31: {  	[smem:$0x3FB0] =	sst s10  }
0x32: {  	s10 =	sld [smem:$0x3FAE];
	_ =	sdelay $0x3  }
0x33: {  	p0 =	seq.s32 s10, $0x1;
	s10 =	sld [smem:$0x3FB0];
	_ =	sdelay $0x3  }
0x34: {  	[smem:$0x3FB0] =	sst s10  }
0x35: {  	s10 =	sld [smem:$0x3FAF];
	_ =	sdelay $0x3  }
0x36: {  	p1 =	seq.s32 s10, $0x1;
	s10 =	sld [smem:$0x3FB0];
	_ =	sdelay $0x3  }
0x37: {  	[smem:$0x3FB0] =	sst s10  }
0x38: {  	s10 =	sld [smem:$0x3FB1]  }
0x39: {  	_ = 	snop;
	(pc) =	sbr.ind lr, $3  }
0x3a: {  	_ = 	snop  }
0x3b: {  	_ = 	snop  }
0x3c: {  	p2 =	seq.s32 s10, $0x1;
	s10 =	sld [smem:$0x3FB0]  }
0x3d: {  	_ =	shalt  }
0x3e: {  	_ =	shalt  }
0x3f: {  	_ =	shalt  }
0x40: {  	_ =	shalt  }
0x41: {  	_ =	shalt  }
0x42: {  	_ =	shalt  }
0x43: {  	_ =	shalt  }
0x44: {  	_ =	shalt  }
0x45: {  	_ =	shalt  }
0x46: {  	_ =	shalt  }
0x47: {  	_ =	shalt  }
0x48: {  	_ =	shalt  }
0x49: {  	_ =	shalt  }
0x4a: {  	_ =	shalt  }
0x4b: {  	_ =	shalt  }
0x4c: {  	_ =	shalt  }
0x4d: {  	_ =	shalt  }
0x4e: {  	_ =	shalt  }
0x4f: {  	_ =	shalt  }
0x50: {  	_ =	shalt  }
0x51: {  	_ =	shalt  }
0x52: {  	_ =	shalt  }
0x53: {  	_ =	shalt  }
0x54: {  	_ =	shalt  }
0x55: {  	_ =	shalt  }
0x56: {  	_ =	shalt  }
0x57: {  	_ =	shalt  }
0x58: {  	_ =	shalt  }
0x59: {  	_ =	shalt  }
0x5a: {  	_ =	shalt  }
0x5b: {  	_ =	shalt  }
0x5c: {  	_ =	shalt  }
0x5d: {  	_ =	shalt  }
0x5e: {  	_ =	shalt  }
0x5f: {  	_ =	shalt  }
0x60: {  	_ =	shalt  }
0x61: {  	_ =	shalt  }
0x62: {  	_ =	shalt  }
0x63: {  	_ =	shalt  }
0x64: {  	_ =	shalt  }
0x65: {  	_ =	shalt  }
0x66: {  	_ =	shalt  }
0x67: {  	_ =	shalt  }
0x68: {  	_ =	shalt  }
0x69: {  	_ =	shalt  }
0x6a: {  	_ =	shalt  }
0x6b: {  	_ =	shalt  }
0x6c: {  	_ =	shalt  }
0x6d: {  	_ =	shalt  }
0x6e: {  	_ =	shalt  }
0x6f: {  	_ =	shalt  }
0x70: {  	_ =	shalt  }
0x71: {  	_ =	shalt  }
0x72: {  	_ =	shalt  }
0x73: {  	_ =	shalt  }
0x74: {  	_ =	shalt  }
0x75: {  	_ =	shalt  }
0x76: {  	_ =	shalt  }
0x77: {  	_ =	shalt  }
0x78: {  	_ =	shalt  }
0x79: {  	_ =	shalt  }
0x7a: {  	_ =	shalt  }
0x7b: {  	_ =	shalt  }
0x7c: {  	_ =	shalt  }
0x7d: {  	_ =	shalt  }
0x7e: {  	_ =	shalt  }
0x7f: {  	_ =	shalt  }
0x80: {  	_ =	shalt  }
0x81: {  	_ =	shalt  }
0x82: {  	_ =	shalt  }
0x83: {  	_ =	shalt  }
0x84: {  	_ =	shalt  }
0x85: {  	_ =	shalt  }
0x86: {  	_ =	shalt  }
0x87: {  	_ =	shalt  }
.Lfunc_end0:
.L_simem_size_0:
called_computation.1_lowered:
.L_overlay_start_0:
0x88: {  	s2 =	sld [smem:$0x3FD9]  }
0x89: {  	s3 =	sld [smem:$0x3FFE];
	_ =	sdelay $0x1  }
0x8a: {  	s1 =	srdreg.scid  }
0x8b: {  	s0 =	sand.u32 $0x1, s1  }
0x8c: {  	s17 =	sshll.u32 s0, $0xA;
	s2 =	sadd.s32 s3, s2  }
0x8d: {  	s2 =	sadd.s32 s2, s17  }
0x8e: {  	[smem:$0x3FBC] =	sst s2  }
0x8f: {  	_ = 	snop  }
0x90: {  	s2 =	sld [smem:$0x3FD0];
	(tm) =	ssettm $0x1  }
0x91: {  	s18 =	sld [smem:$0x3FFB];
	_ =	sdelay $0x3  }
0x92: {  	_ =	strace s18  }
0x93: {  	s3 =	sld [smem:$0x3FFC];
	_ =	sdelay $0x3  }
0x94: {  	_ =	strace s3  }
0x95: {  	s3 =	sld [smem:$0x3FFD];
	_ =	sdelay $0x3  }
0x96: {  	_ =	strace s3  }
0x97: {  	_ =	strace $0x8FFFFFFF  }
0x98: {  	s19 =	sld [smem:$0x3FDB];
	_ =	sdelay $0x1  }
0x99: {  	s4 =	simm.s32 $_scs_section_size  }
0x9a: {  	s5 =	simm.s32 $_size__tile_overlayer_lowered;
	s6 =	simm.s32 $_tile_overlayer_lowered  }
0x9b: {  	s22 =	simm.s32 $0x1BFF;
	s21 =	sshll.u32 s6, $0x1;
	s3 =	sadd.s32 s4, s19  }
0x9c: {  	s7 =	simm.s32 $0x0;
	s20 =	sshll.u32 s5, $0x1;
	s5 =	sadd.s32 s21, s3  }
0x9d: {  	[timem:s7], [sflag:s22] =	dma.local [hbm:s5], s20  }
0x9e: {  	_ =	swait.ge [sflag:s22], s20  }
0x9f: {  	s4 =	ssub.s32 $0x0, s20;
	[sflag:s22] =	ssyncset.done $0x0  }
0xa0: {  	[sflag:s22] =	ssyncadd.s32 s4;
	_ =	sdelay $0x1  }
0xa1: {  	s23 =	simm.s32 $0x1B8B  }
0xa2: {  	_ =	swait.ge [sflag:s23], $0x1  }
0xa3: {  	[sflag:s23] =	ssyncset.done $0x0  }
0xa4: {  	s25 =	simm.s32 $0x1B8E;
	s24 =	sld [smem:$0x3FFE];
	[sflag:s23] =	ssyncadd.s32 $0xFFFFFFFF  }
0xa5: {  	s26 =	simm.s32 $execute0_lowered;
	[smem:$0x3FD2] =	sst s25  }
0xa6: {  	s5 =	sshll.u32 s26, $0x1;
	_ =	strace $0x80000049;
	[dreg:$0x1] =	wrdreg $0xFFFFFFFF  }
0xa7: {  	s28 =	simm.s32 $_size_execute0_lowered;
	s3 =	sadd.s32 s3, s5;
	[dreg:$0x0] =	wrdreg $0x0  }
0xa8: {  	s5 =	sshll.u32 s28, $0x1;
	[dreg:$0x2] =	wrdreg s3  }
0xa9: {  	[dreg:$0x3] =	wrdreg s5  }
0xaa: {  	[dreg:$0x4] =	wrdreg $0xC0  }
0xab: {  	_ =	task [dreg:s7], $0x5FFFF  }
0xac: {  	[dreg:$0x1] =	wrdreg $0xFFFFFFFF  }
0xad: {  	[dreg:$0x0] =	wrdreg $0x60  }
0xae: {  	[dreg:$0x2] =	wrdreg s24  }
0xaf: {  	[dreg:$0x3] =	wrdreg s2  }
0xb0: {  	[dreg:$0x4] =	wrdreg $0x9  }
0xb1: {  	_ =	task.clear_ibuf [dreg:s7], $0x5FFFF;
	_ =	strace $0x90000049  }
0xb2: {  	s29 =	simm.s32 $0x9;
	_ =	strace $0x8000004B  }
0xb3: {  	_ =	swait.ge [sflag:s29], $0x1  }
0xb4: {  	[sflag:s29] =	ssyncadd.s32 $0xFFFFFFFF  }
0xb5: {  	_ =	strace $0x9000004B  }
0xb6: {  	_ =	sfence  }
0xb7: {  	s30 =	sld [smem:$0x0];
	_ =	sdelay $0x2  }
0xb8: {  	s31 =	sshll.u32 s1, $0xD;
	s1 =	sshrl.u32 s1, $0x2  }
0xb9: {  	s3 =	sand.u32 $0x4000, s31;
	s1 =	sadd.s32 s1, s30  }
0xba: {  	s0 =	sor.u32 s3, s0;
	s1 =	sshll.u32 s1, $0x11  }
0xbb: {  	s0 =	sor.u32 s1, s0  }
0xbc: {  	s0 =	sadd.s32 $0x8F2B, s0  }
0xbd: {  	[sflag:s0] =	ssyncadd.remote.s32 $0x1  }
0xbe: {  	_ =	sfence.sel $0xFFFF  }
0xbf: {  	[dreg:$0x0] =	wrdreg $0xFFFFFFFF;
	(pc) =	sbr.abs _section_cstart, $3  }
0xc0: {  	[dreg:$0x1] =	wrdreg $0xFFFFFFFF  }
0xc1: {  	_ =	task.clear_ibuf [dreg:s7], $0x2FFFF;
	_ =	strace $0x9FFFFFFF  }
0xc2: {  	(tm) =	ssettm $0x7FFFFFFF  }
0xc3: {  	_ =	shalt  }
tec
execute0_lowered:
.L_overlay_start_1:
0x0: {  	(tag) =	ssettag $0x1  }
0x1: {  	s4 =	rddreg [dreg:$0x0];
	s1 =	srdreg.scid  }
0x2: {  	s0 =	stileid.u32;
	s6 =	rddreg [dreg:$0x1];
	s10 =	simm.s32 $0x2  }
0x3: {  	s11 =	simm.s32 $0x1000;
	s12 =	simm.s32 $0x1;
	s13 =	simm.s32 $0x3000  }
0x4: {  	s14 =	simm.s32 $0x0;
	s3 =	sand.u32 $0x1, s1;
	s2 =	sshll.u32 s0, $0x1  }
0x5: {  	s1 =	rddreg [dreg:$0x2];
	s5 =	sshll.u32 s0, $0xA;
	s7 =	sor.u32 s3, s2  }
0x6: {  	s2 =	simm.s32 $0x0;
	s31 =	ssub.s32 $0x2, s3;
	s3 =	sadd.s32 $0x2200, s4  }
0x7: {  	s8 =	sshll.u32 s7, $0x4;
	[smem:$0x7FF] =	sst s2;
	s9 =	sshrl.u32 s31, $0x1  }
0x8: {  	s7 =	sshll.u32 s7, $0x6;
	s5 =	sor.u32 s5, s8;
	_ =	strace $0x8000004A  }
0x9: {  	s8 =	ssub.s32 s31, s9;
	s6 =	sadd.s32 s6, s7;
	s5 =	sand.u32 $0x3070, s5  }
0xa: {  	s9 =	simm.s32 $0x400;
	s7 =	smax.u32 s8, $0x1;
	s5 =	sadd.s32 s5, s4  }
0xb: {  	s8 =	simm.s32 $0x80;
	s4 =	sadd.s32 $0x402200, s5;
	s5 =	sadd.s32 $0x406200, s5  }
.LBB2_1:
0xc: {  	[tilespmem:s2], [sflag:$0x2] =	stream.strided.gather [hbm4b:s4+s8], $0x1000, s9, s8, $0x38;
	[tilespmem:$0x3200] =	vst v63  }
0xd: {  	_ =	swait.ge [sflag:s10], $0x1000  }
0xe: {  	[sflag:s10] =	ssyncset.done $0x0  }
0xf: {  	[sflag:s10] =	ssyncadd.s32 $0xFFFFF000  }
0x10: {  	[tilespmem:s11], [sflag:$0x2] =	stream.strided.gather [hbm4b:s5+s8], $0x1000, s9, s8, $0x38;
	[tilespmem:$0x3200] =	vst v63  }
0x11: {  	_ =	swait.ge [sflag:s10], $0x1000  }
0x12: {  	s15 =	simm.s32 $0x200;
	[sflag:s10] =	ssyncset.done $0x0  }
0x13: {  	s16 =	simm.s32 $0x0;
	s17 =	simm.s32 $0x2000;
	[sflag:s10] =	ssyncadd.s32 $0xFFFFF000  }
.LBB2_2:
0x14: {  	[tilespmem:s17], [sflag:$0x1] =	stream.indirect.gather [hbm4b:s3+s8], $0x1, s16, s8, $0xb8;
	[tilespmem:$0x3200] =	vst v63  }
0x15: {  	s16 =	smov.u32 s15;
	p0 =	sne.s32 s15, $0x3E00  }
.Ltmp0:
0x16: {  	s15 =	sadd.s32 $0x200, s15;
	(pc) =	sbr.rel @p0 .LBB2_2-.Ltmp0, $3  }
0x17: {  	_ =	sdelay $0x1  }
0x18: {  	s16 =	sshra.s32 s16, $0x2  }
0x19: {  	s17 =	sadd.s32 $0x2000, s16  }
0x1a: {  	[tilespmem:s17], [sflag:$0x1] =	stream.indirect.gather [hbm4b:s3+s8], $0x1, s16, s8, $0xb8;
	[tilespmem:$0x3200] =	vst v63  }
0x1b: {  	_ =	swait.ge [sflag:s12], $0x1000  }
0x1c: {  	[sflag:s12] =	ssyncset.done $0x0  }
0x1d: {  	s15 =	simm.s32 $0x0;
	[sflag:s12] =	ssyncadd.s32 $0xFFFFF000  }
0x1e: {  	v0 =	vld [tilespmem:s15+$0x1000]  }
0x1f: {  	v1 =	vld [tilespmem:s15+$0x2000]  }
0x20: {  	v2 =	vld [tilespmem:s15+$0x1200]  }
0x21: {  	v3 =	vld [tilespmem:s15+$0x2200]  }
0x22: {  	v4 =	vld [tilespmem:s15+$0x1400]  }
0x23: {  	v5 =	vld [tilespmem:s15+$0x2400]  }
0x24: {  	v6 =	vld [tilespmem:s15+$0x1600]  }
0x25: {  	v7 =	vld [tilespmem:s15+$0x2600]  }
0x26: {  	v0 =	vmul.f32 v1, v0;
	v1 =	vmul.f32 v3, v2;
	v2 =	vld [tilespmem:s15+$0x1800]  }
0x27: {  	v3 =	vld [tilespmem:s15+$0x2800]  }
0x28: {  	v8 =	vld [tilespmem:s15+$0x2A00];
	v0 =	vadd.f32 v1, v0;
	v1 =	vmul.f32 v5, v4  }
0x29: {  	v5 =	vld [tilespmem:s15+$0x1A00]  }
0x2a: {  	v0 =	vadd.f32 v1, v0;
	v1 =	vmul.f32 v7, v6;
	v6 =	vld [tilespmem:s15+$0x1C00]  }
0x2b: {  	v7 =	vld [tilespmem:s15+$0x2C00]  }
0x2c: {  	v4 =	vld [tilespmem:s15+$0x2E00];
	v2 =	vmul.f32 v3, v2;
	v9 =	vadd.f32 v1, v0  }
0x2d: {  	s16 =	simm.s32 $0x10;
	v1 =	vld [tilespmem:s15+$0x1E00]  }
0x2e: {  	v3 =	vld [tilespmem:s16+$0x1200];
	v5 =	vmul.f32 v8, v5;
	v9 =	vadd.f32 v2, v9  }
0x2f: {  	v0 =	vld [tilespmem:s16+$0x1000]  }
0x30: {  	s17 =	simm.s32 $0x80;
	v2 =	vld [tilespmem:s16+$0x2000];
	v6 =	vmul.f32 v7, v6;
	v5 =	vadd.f32 v5, v9  }
.LBB2_4:
0x31: {  	p0 =	sne.s32 s17, $0x7C0;
	v7 =	vld [tilespmem:s16+$0x2200]  }
0x32: {  	v8 =	vld [tilespmem:s16+$0x1400];
	v5 =	vadd.f32 v6, v5;
	v1 =	vmul.f32 v4, v1  }
0x33: {  	v4 =	vld [tilespmem:s16+$0x2400]  }
0x34: {  	v6 =	vld [tilespmem:s16+$0x1600];
	v1 =	vadd.f32 v1, v5  }
0x35: {  	v5 =	vld [tilespmem:s16+$0x2600]  }
0x36: {  	v0 =	vmul.f32 v2, v0;
	v2 =	vmul.f32 v7, v3;
	v3 =	vld [tilespmem:s16+$0x1800];
	[tilespmem:s15+$0x3000] =	vst v1;
	s15 =	smov.u32 s16  }
0x37: {  	v1 =	vld [tilespmem:s15+$0x2800]  }
0x38: {  	v0 =	vadd.f32 v2, v0;
	v2 =	vmul.f32 v4, v8;
	v7 =	vld [tilespmem:s15+$0x1A00]  }
0x39: {  	v8 =	vld [tilespmem:s15+$0x2A00]  }
0x3a: {  	v0 =	vadd.f32 v2, v0;
	v2 =	vmul.f32 v5, v6;
	v6 =	vld [tilespmem:s15+$0x1C00]  }
0x3b: {  	v9 =	vld [tilespmem:s15+$0x2C00]  }
.Ltmp1:
0x3c: {  	v2 =	vadd.f32 v2, v0;
	v3 =	vmul.f32 v1, v3;
	v1 =	vld [tilespmem:s15+$0x1E00];
	(pc) =	sbr.rel @p0 .LBB2_4-.Ltmp1, $4  }
0x3d: {  	s16 =	sshra.s32 s17, $0x2;
	v4 =	vld [tilespmem:s15+$0x2E00]  }
0x3e: {  	v0 =	vld [tilespmem:s16+$0x1000];
	v5 =	vadd.f32 v3, v2;
	v7 =	vmul.f32 v8, v7  }
0x3f: {  	v2 =	vld [tilespmem:s16+$0x2000]  }
0x40: {  	s17 =	sadd.s32 $0x40, s17;
	v3 =	vld [tilespmem:s16+$0x1200];
	v5 =	vadd.f32 v7, v5;
	v6 =	vmul.f32 v9, v6  }
0x41: {  	v7 =	vld [tilespmem:s16+$0x2200]  }
0x42: {  	v8 =	vld [tilespmem:s16+$0x1400];
	v5 =	vadd.f32 v6, v5;
	v1 =	vmul.f32 v4, v1  }
0x43: {  	v49 =	vld [tilespmem:s16+$0x2400]  }
0x44: {  	v50 =	vld [tilespmem:s16+$0x1600];
	v1 =	vadd.f32 v1, v5  }
0x45: {  	v51 =	vld [tilespmem:s16+$0x2600]  }
0x46: {  	v9 =	vld [tilespmem:s16+$0x1800];
	v0 =	vmul.f32 v2, v0;
	v52 =	vmul.f32 v7, v3;
	[tilespmem:s15+$0x3000] =	vst v1  }
0x47: {  	v1 =	vld [tilespmem:s16+$0x2800]  }
0x48: {  	v53 =	vmul.f32 v49, v8;
	v54 =	vld [tilespmem:s16+$0x1A00];
	v0 =	vadd.f32 v52, v0  }
0x49: {  	v55 =	vld [tilespmem:s16+$0x2A00]  }
0x4a: {  	v56 =	vmul.f32 v51, v50;
	v57 =	vld [tilespmem:s16+$0x1C00];
	v0 =	vadd.f32 v53, v0  }
0x4b: {  	v58 =	vld [tilespmem:s16+$0x2C00]  }
0x4c: {  	v59 =	vld [tilespmem:s16+$0x1E00];
	v0 =	vadd.f32 v56, v0;
	v1 =	vmul.f32 v1, v9  }
0x4d: {  	v60 =	vld [tilespmem:s16+$0x2E00]  }
0x4e: {  	v61 =	vmul.f32 v55, v54;
	v0 =	vadd.f32 v1, v0;
	_ =	sdelay $0x1  }
0x4f: {  	v62 =	vmul.f32 v58, v57;
	v0 =	vadd.f32 v61, v0;
	_ =	sdelay $0x1  }
0x50: {  	v63 =	vmul.f32 v60, v59;
	v0 =	vadd.f32 v62, v0;
	_ =	sdelay $0x1  }
0x51: {  	s14 =	sadd.s32 $0x1, s14;
	v0 =	vadd.f32 v63, v0  }
0x52: {  	p0 =	sne.s32 s14, s7  }
.Ltmp2:
0x53: {  	[tilespmem:s16+$0x3000] =	vst v0;
	(pc) =	sbr.rel @p0 .LBB2_1-.Ltmp2, $4  }
0x54: {  	[hbm4b:s6+s2] =	stream.linear.scatter [tilespmem:s13], [sflag:$0x2], $0x200, $0x38;
	[tilespmem:$0x3200] =	vst v63  }
0x55: {  	_ =	swait.ge [sflag:s10], $0x200  }
0x56: {  	[sflag:s10] =	ssyncset.done $0x0  }
0x57: {  	[sflag:s10] =	ssyncadd.s32 $0xFFFFFE00  }
0x58: {  	_ =	sfence.sel $0x180000  }
0x59: {  	[bflag:$0x0] =	sbarrier.arrive $0xFFFF  }
0x5a: {  	p0 =	sne.s32 s0, $0x0;
	_ =	strace $0x9000004A  }
0x5b: {  	s0 =	sadd.s32 @!p0 $0x100000, s1;
	[bflag:$0x2] =	sbarrier.arrive $0xFFFF  }
0x5c: {  	[sflag:s0] =	ssyncadd.tile.s32 @!p0 $0x1;
	_ =	shalt  }
.Lfunc_end2:
_tile_overlayer_lowered:
.L_overlay_start_2:
0x5d: {  	(tag) =	ssettag $0x2  }
0x5e: {  	s0 =	rddreg [dreg:$0x0];
	s2 =	stileid.u32  }
0x5f: {  	s1 =	rddreg [dreg:$0x1];
	p0 =	sne.s32 s2, $0x0  }
0x60: {  	s3 =	rddreg [dreg:$0x2];
	[bflag:$0x3] =	sbarrier.arrive $0xFFFF;
	s2 =	simm.s32 @!p0 $0x1C02  }
0x61: {  	[timem:s3], [sflag:s2] =	dma.local @!p0 [hbm:s0], s1  }
0x62: {  	s0 =	simm.s32 @!p0 $0x2  }
0x63: {  	_ =	swait.ge @!p0 [sflag:s0], s1  }
0x64: {  	s1 =	ssub.s32 @!p0 $0x0, s1;
	[sflag:s0] =	ssyncset.done @!p0 $0x0  }
0x65: {  	[sflag:s0] =	ssyncadd.s32 @!p0 s1  }
0x66: {  	[bflag:$0x3] =	sbarrier.arrive $0xFFFF  }
0x67: {  	_ =	shalt  }

// kernel: sparse-core-data-format-call.cloned.1.call-start
scs
called_computation_lowered:
.L_overlay_start_0:
0x0: {  	s2 =	sld [smem:$0x3FD9]  }
0x1: {  	s3 =	sld [smem:$0x3FFE];
	_ =	sdelay $0x1  }
0x2: {  	s1 =	srdreg.scid  }
0x3: {  	s0 =	sand.u32 $0x1, s1  }
0x4: {  	s18 =	sshll.u32 s0, $0xA;
	s2 =	sadd.s32 s3, s2  }
0x5: {  	s2 =	sadd.s32 s2, s18  }
0x6: {  	[smem:$0x3FBC] =	sst s2  }
0x7: {  	_ = 	snop  }
0x8: {  	s2 =	sld [smem:$0x3FC7];
	(tm) =	ssettm $0x1  }
0x9: {  	s19 =	sld [smem:$0x3FFB];
	_ =	sdelay $0x3  }
0xa: {  	_ =	strace s19  }
0xb: {  	s3 =	sld [smem:$0x3FFC];
	_ =	sdelay $0x3  }
0xc: {  	_ =	strace s3  }
0xd: {  	s3 =	sld [smem:$0x3FFD];
	_ =	sdelay $0x3  }
0xe: {  	_ =	strace s3  }
0xf: {  	_ =	strace $0x8FFFFFFF  }
0x10: {  	s20 =	sld [smem:$0x3FDB];
	_ =	sdelay $0x1  }
0x11: {  	s4 =	simm.s32 $_scs_section_size  }
0x12: {  	s5 =	simm.s32 $_size__tile_overlayer_lowered;
	s6 =	simm.s32 $_tile_overlayer_lowered  }
0x13: {  	s23 =	simm.s32 $0x1BFF;
	s22 =	sshll.u32 s6, $0x1;
	s3 =	sadd.s32 s4, s20  }
0x14: {  	s7 =	simm.s32 $0x0;
	s21 =	sshll.u32 s5, $0x1;
	s5 =	sadd.s32 s22, s3  }
0x15: {  	[timem:s7], [sflag:s23] =	dma.local [hbm:s5], s21  }
0x16: {  	_ =	swait.ge [sflag:s23], s21  }
0x17: {  	s4 =	ssub.s32 $0x0, s21;
	[sflag:s23] =	ssyncset.done $0x0  }
0x18: {  	[sflag:s23] =	ssyncadd.s32 s4;
	_ =	sdelay $0x1  }
0x19: {  	s24 =	simm.s32 $0x1B8B  }
0x1a: {  	_ =	swait.ge [sflag:s24], $0x1  }
0x1b: {  	[sflag:s24] =	ssyncset.done $0x0  }
0x1c: {  	s26 =	simm.s32 $0x1B8E;
	s25 =	sld [smem:$0x3FFE];
	[sflag:s24] =	ssyncadd.s32 $0xFFFFFFFF  }
0x1d: {  	s27 =	simm.s32 $execute0_lowered;
	[smem:$0x3FD2] =	sst s26  }
0x1e: {  	s5 =	sshll.u32 s27, $0x1;
	_ =	strace $0x80000046;
	[dreg:$0x1] =	wrdreg $0xFFFFFFFF  }
0x1f: {  	s28 =	simm.s32 $_size_execute0_lowered;
	s3 =	sadd.s32 s3, s5;
	[dreg:$0x0] =	wrdreg $0x0  }
0x20: {  	s5 =	sshll.u32 s28, $0x1;
	[dreg:$0x2] =	wrdreg s3  }
0x21: {  	[dreg:$0x3] =	wrdreg s5  }
0x22: {  	[dreg:$0x4] =	wrdreg $0xC0  }
0x23: {  	_ =	task [dreg:s7], $0x5FFFF  }
0x24: {  	[dreg:$0x1] =	wrdreg $0xFFFFFFFF  }
0x25: {  	[dreg:$0x0] =	wrdreg $0x60  }
0x26: {  	[dreg:$0x2] =	wrdreg s2  }
0x27: {  	[dreg:$0x3] =	wrdreg s25  }
0x28: {  	[dreg:$0x4] =	wrdreg $0x9  }
0x29: {  	_ =	task.clear_ibuf [dreg:s7], $0x5FFFF;
	_ =	strace $0x90000046  }
0x2a: {  	s29 =	simm.s32 $0x9;
	_ =	strace $0x80000048  }
0x2b: {  	_ =	swait.ge [sflag:s29], $0x1  }
0x2c: {  	[sflag:s29] =	ssyncadd.s32 $0xFFFFFFFF  }
0x2d: {  	_ =	strace $0x90000048  }
0x2e: {  	_ =	sfence  }
0x2f: {  	s30 =	sld [smem:$0x0];
	_ =	sdelay $0x2  }
0x30: {  	s31 =	sshll.u32 s1, $0xD;
	s1 =	sshrl.u32 s1, $0x2  }
0x31: {  	s3 =	sand.u32 $0x4000, s31;
	s1 =	sadd.s32 s1, s30  }
0x32: {  	s0 =	sor.u32 s3, s0;
	s1 =	sshll.u32 s1, $0x11  }
0x33: {  	s0 =	sor.u32 s1, s0  }
0x34: {  	s0 =	sadd.s32 $0x8F2B, s0  }
0x35: {  	[sflag:s0] =	ssyncadd.remote.s32 $0x1  }
0x36: {  	_ =	sfence.sel $0xFFFF  }
0x37: {  	[dreg:$0x0] =	wrdreg $0xFFFFFFFF;
	(pc) =	sbr.abs _section_cstart, $3  }
0x38: {  	[dreg:$0x1] =	wrdreg $0xFFFFFFFF  }
0x39: {  	_ =	task.clear_ibuf [dreg:s7], $0x2FFFF;
	_ =	strace $0x9FFFFFFF  }
0x3a: {  	(tm) =	ssettm $0x7FFFFFFF  }
0x3b: {  	_ =	shalt  }
tec
execute0_lowered:
.L_overlay_start_1:
0x0: {  	(tag) =	ssettag $0x1  }
0x1: {  	s0 =	srdreg.scid  }
0x2: {  	s1 =	sshll.u32 s0, $0x4  }
0x3: {  	s2 =	rddreg [dreg:$0x0];
	s0 =	stileid.u32;
	s1 =	sand.u32 $0x10, s1  }
0x4: {  	s4 =	rddreg [dreg:$0x1];
	s7 =	simm.s32 $0x1;
	s1 =	sor.u32 s0, s1  }
0x5: {  	s8 =	simm.s32 $0x2;
	s9 =	simm.s32 $0x0;
	s3 =	sshll.u32 s1, $0x2  }
0x6: {  	s12 =	simm.s32 $0x0;
	s11 =	simm.s32 $0x0;
	s6 =	ssub.s32 $0x2000, s3  }
.Ltmp0:
0x7: {  	s4 =	sadd.s32 $0x2200, s4;
	s5 =	sand.u32 $0x7C, s6;
	(pc) =	sbr.rel .LBB1_1-.Ltmp0, $4  }
0x8: {  	s1 =	rddreg [dreg:$0x2];
	_ =	strace $0x80000047;
	p0 =	sne.s32 s5, $0x0  }
0x9: {  	s6 =	sshrl.u32 s6, $0x7;
	s5 =	simm.s32 $0x1;
	s7 =	simm.s32 @!p0 $0x0  }
0xa: {  	s10 =	smov.u32 s3;
	[sflag:s5] =	ssyncpa.u1 $0x0;
	s6 =	sadd.s32 s7, s6  }
0xb: {  	[sflag:s8] =	ssyncpa.u1 $0x0;
	s8 =	simm.s32 $0x0;
	s7 =	sadd.s32 $0x1, s6  }
.LBB1_9:
0xc: {  	s14 =	sadd.s32 $0x80, s10  }
0xd: {  	p1 =	sgt.s32 s14, $0x1FFF  }
0xe: {  	s14 =	smov.u32 @p1 s3;
	p1 =	sne.s32 s11, s7  }
.Ltmp1:
0xf: {  	p0 =	slt.u32 s11, $0x2;
	(pc) =	sbr.rel @!p1 .LBB1_10-.Ltmp1, $4  }
0x10: {  	s13 =	simm.s32 @!p0 $0x2  }
0x11: {  	s15 =	sadd.s32 $0x1, s11;
	_ =	swait.ge @!p0 [sflag:s13], $0x4000  }
0x12: {  	s12 =	smov.u32 s10;
	s9 =	sadd.s32 $0x4000, s9;
	[sflag:s13] =	ssyncset.done @!p0 $0x0  }
0x13: {  	s11 =	smov.u32 s15;
	s10 =	smov.u32 s14;
	[sflag:s13] =	ssyncadd.s32 @!p0 $0xFFFFC000  }
.LBB1_1:
0x14: {  	p0 =	sge.u32 s11, s6  }
0x15: {  	s13 =	sxor.u32 @!p0 $0xFFFFFFFF, s11  }
0x16: {  	s31 =	sadd.s32 $0xFFFFFFFF, s11;
	s14 =	sshll.u32 @!p0 s10, $0x9;
	s13 =	sshll.u32 @!p0 s13, $0xE  }
0x17: {  	s15 =	simm.s32 @!p0 $0x0;
	s14 =	sadd.s32 @!p0 s2, s14;
	s13 =	sand.u32 @!p0 $0x4000, s13  }
0x18: {  	[tilespmem:s13], [sflag:$0x1] =	stream.linear.gather @!p0 [hbm4b:s14+s15], $0x4000, $0x38;
	[tilespmem:$0x10000] =	vst v63  }
0x19: {  	p0 =	sge.u32 s31, s6  }
.Ltmp2:
0x1a: {  	_ = 	snop;
	(pc) =	sbr.rel @p0 .LBB1_9-.Ltmp2, $1  }
0x1b: {  	_ =	sdelay $0x3  }
0x1c: {  	s14 =	sand.u32 $0x4000, s9  }
0x1d: {  	_ =	swait.ge [sflag:s5], $0x4000;
	s15 =	sshll.u32 s11, $0xE;
	s16 =	simm.s32 $0x0  }
0x1e: {  	s13 =	sor.u32 $0x40, s14;
	[sflag:s5] =	ssyncset.done $0x0;
	s15 =	sand.u32 $0x4000, s15  }
0x1f: {  	s14 =	sor.u32 $0x8040, s14;
	[sflag:s5] =	ssyncadd.s32 $0xFFFFC000;
	s15 =	sor.u32 $0x8000, s15  }
.LBB1_3:
0x20: {  	s17 =	smov.u32 s14;
	s18 =	smov.u32 s13;
	s19 =	simm.s32 $0x0  }
.LBB1_4:
0x21: {  	v0 =	vmov s17;
	v2 =	vld [tilespmem:s18+$0x30]  }
0x22: {  	v4 =	vld [tilespmem:s18+$0xFFFFFFD0]  }
0x23: {  	v6 =	vld [tilespmem:s18+$0xFFFFFFE0]  }
0x24: {  	v7 =	vld [tilespmem:s18+$0xFFFFFFF0]  }
0x25: {  	s20 =	simm.s32 $0x0;
	v1 =	vld [tilespmem:s18+$0x0]  }
0x26: {  	v3 =	vld [tilespmem:s18+$0x10];
	[tilespmem:v0+s20+$0x30 ss:$0x1] =	vst.idx.msk $0xffff, v2  }
0x27: {  	v5 =	vld [tilespmem:s18+$0x20];
	[tilespmem:v0+s20+$0xFFFFFFD0 ss:$0x1] =	vst.idx.msk $0xffff, v4  }
0x28: {  	s21 =	sadd.s32 $0x80, s18;
	v2 =	vld [tilespmem:s18+$0xFFFFFFC0];
	[tilespmem:v0+s20+$0xFFFFFFE0 ss:$0x1] =	vst.idx.msk $0xffff, v6  }
0x29: {  	s22 =	simm.s32 $0x800;
	s23 =	simm.s32 $0x1000;
	v4 =	vld [tilespmem:s21+$0x30];
	[tilespmem:v0+s20+$0xFFFFFFF0 ss:$0x1] =	vst.idx.msk $0xffff, v7  }
.LBB1_5:
0x2a: {  	p0 =	sne.s32 s23, $0x3800;
	v6 =	vld [tilespmem:s21+$0xFFFFFFD0];
	[tilespmem:v0+s20+$0x0 ss:$0x1] =	vst.idx.msk $0xffff, v1  }
0x2b: {  	v7 =	vld [tilespmem:s21+$0xFFFFFFE0];
	[tilespmem:v0+s20+$0x10 ss:$0x1] =	vst.idx.msk $0xffff, v3  }
0x2c: {  	v8 =	vld [tilespmem:s21+$0xFFFFFFF0];
	[tilespmem:v0+s20+$0x20 ss:$0x1] =	vst.idx.msk $0xffff, v5  }
.Ltmp3:
0x2d: {  	v1 =	vld [tilespmem:s21+$0x0];
	[tilespmem:v0+s20+$0xFFFFFFC0 ss:$0x1] =	vst.idx.msk $0xffff, v2;
	s20 =	sshra.s32 s22, $0x2;
	s22 =	smov.u32 s23;
	(pc) =	sbr.rel @p0 .LBB1_5-.Ltmp3, $4  }
0x2e: {  	v3 =	vld [tilespmem:s21+$0x10];
	[tilespmem:v0+s20+$0x30 ss:$0x1] =	vst.idx.msk $0xffff, v4  }
0x2f: {  	[tilespmem:v0+s20+$0xFFFFFFD0 ss:$0x1] =	vst.idx.msk $0xffff, v6;
	v5 =	vld [tilespmem:s21+$0x20]  }
0x30: {  	v2 =	vld [tilespmem:s21+$0xFFFFFFC0];
	[tilespmem:v0+s20+$0xFFFFFFE0 ss:$0x1] =	vst.idx.msk $0xffff, v7;
	s21 =	sadd.s32 $0x80, s21  }
0x31: {  	s23 =	sadd.s32 $0x800, s23;
	v4 =	vld [tilespmem:s21+$0x30];
	[tilespmem:v0+s20+$0xFFFFFFF0 ss:$0x1] =	vst.idx.msk $0xffff, v8  }
0x32: {  	_ =	sdelay $0x3  }
0x33: {  	v6 =	vld [tilespmem:s21+$0xFFFFFFD0];
	[tilespmem:v0+s20+$0x0 ss:$0x1] =	vst.idx.msk $0xffff, v1  }
0x34: {  	v58 =	vld [tilespmem:s21+$0xFFFFFFE0];
	[tilespmem:v0+s20+$0x10 ss:$0x1] =	vst.idx.msk $0xffff, v3  }
0x35: {  	v59 =	vld [tilespmem:s21+$0xFFFFFFF0];
	[tilespmem:v0+s20+$0x20 ss:$0x1] =	vst.idx.msk $0xffff, v5  }
0x36: {  	s22 =	sshra.s32 s22, $0x2;
	v60 =	vld [tilespmem:s21+$0x0];
	[tilespmem:v0+s20+$0xFFFFFFC0 ss:$0x1] =	vst.idx.msk $0xffff, v2  }
0x37: {  	v61 =	vld [tilespmem:s21+$0x10];
	[tilespmem:v0+s22+$0x30 ss:$0x1] =	vst.idx.msk $0xffff, v4  }
0x38: {  	v62 =	vld [tilespmem:s21+$0x20];
	s19 =	sadd.s32 $0x1, s19;
	[tilespmem:v0+s22+$0xFFFFFFD0 ss:$0x1] =	vst.idx.msk $0xffff, v6  }
0x39: {  	v63 =	vld [tilespmem:s21+$0xFFFFFFC0];
	p0 =	sne.s32 s19, $0x4;
	[tilespmem:v0+s22+$0xFFFFFFE0 ss:$0x1] =	vst.idx.msk $0xffff, v58  }
.Ltmp4:
0x3a: {  	[tilespmem:v0+s22+$0xFFFFFFF0 ss:$0x1] =	vst.idx.msk $0xffff, v59;
	(pc) =	sbr.rel @p0 .LBB1_4-.Ltmp4, $4  }
0x3b: {  	[tilespmem:v0+s22+$0x0 ss:$0x1] =	vst.idx.msk $0xffff, v60  }
0x3c: {  	[tilespmem:v0+s22+$0x10 ss:$0x1] =	vst.idx.msk $0xffff, v61  }
0x3d: {  	[tilespmem:v0+s22+$0x20 ss:$0x1] =	vst.idx.msk $0xffff, v62  }
0x3e: {  	s18 =	sadd.s32 $0x400, s18;
	s17 =	sadd.s32 $0x80, s17;
	[tilespmem:v0+s22+$0xFFFFFFC0 ss:$0x1] =	vst.idx.msk $0xffff, v63  }
0x3f: {  	s16 =	sadd.s32 $0x1, s16  }
0x40: {  	p0 =	sne.s32 s16, $0x4  }
.Ltmp5:
0x41: {  	_ = 	snop;
	(pc) =	sbr.rel @p0 .LBB1_3-.Ltmp5, $2  }
0x42: {  	_ =	sdelay $0x2  }
0x43: {  	s13 =	sadd.s32 $0x1000, s13;
	s14 =	sadd.s32 $0x1000, s14  }
.Ltmp6:
0x44: {  	(pc) =	sbr.rel .LBB1_9-.Ltmp6, $4  }
0x45: {  	_ = 	snop  }
0x46: {  	s12 =	sshll.u32 s12, $0x9  }
0x47: {  	s12 =	sadd.s32 s4, s12  }
0x48: {  	[hbm4b:s12+s8] =	stream.linear.scatter [tilespmem:s15], [sflag:$0x2], $0x4000, $0x38;
	[tilespmem:$0x10000] =	vst v63  }
.LBB1_10:
0x49: {  	_ =	sfence.sel $0x180000  }
0x4a: {  	s2 =	simm.s32 $0x1;
	[bflag:$0x0] =	sbarrier.arrive $0xFFFF  }
0x4b: {  	s31 =	simm.s32 $0x2;
	[sflag:s2] =	ssyncpa.u1 $0x1  }
0x4c: {  	[sflag:s31] =	ssyncpa.u1 $0x1  }
0x4d: {  	p0 =	sne.s32 s0, $0x0;
	_ =	strace $0x90000047  }
0x4e: {  	s0 =	sadd.s32 @!p0 $0x100000, s1;
	[bflag:$0x2] =	sbarrier.arrive $0xFFFF  }
0x4f: {  	[sflag:s0] =	ssyncadd.tile.s32 @!p0 $0x1;
	_ =	shalt  }
.Lfunc_end1:
_tile_overlayer_lowered:
.L_overlay_start_2:
0x50: {  	(tag) =	ssettag $0x2  }
0x51: {  	s0 =	rddreg [dreg:$0x0];
	s2 =	stileid.u32  }
0x52: {  	s1 =	rddreg [dreg:$0x1];
	p0 =	sne.s32 s2, $0x0  }
0x53: {  	s3 =	rddreg [dreg:$0x2];
	[bflag:$0x3] =	sbarrier.arrive $0xFFFF;
	s2 =	simm.s32 @!p0 $0x1C01  }
0x54: {  	[timem:s3], [sflag:s2] =	dma.local @!p0 [hbm:s0], s1  }
0x55: {  	s0 =	simm.s32 @!p0 $0x1  }
0x56: {  	_ =	swait.ge @!p0 [sflag:s0], s1  }
0x57: {  	s1 =	ssub.s32 @!p0 $0x0, s1;
	[sflag:s0] =	ssyncset.done @!p0 $0x0  }
0x58: {  	[sflag:s0] =	ssyncadd.s32 @!p0 s1  }
0x59: {  	[bflag:$0x3] =	sbarrier.arrive $0xFFFF  }
0x5a: {  	_ =	shalt  }

</sc_bundles>
